<compile_context>
chip_gen: v7x
topology: tpu7x:2x2x1
jax: 0.10.2.dev20260603
libtpu: 0.0.44.dev20260713+nightly
codegen_flags: <defaults>
</compile_context>

<pallas_src>
import jax
import jax.numpy as jnp
from jax import lax
from jax.experimental import pallas as pl
from jax.experimental.pallas import tpu as pltpu
from jax.experimental.pallas import tpu_sc as plsc

N_NODES = 10000
N_EDGES = 320000
D = 128
H = D // 2

NC = 2
NS = 16
CHUNK = 128
EDGES_PAD = 327680
CHUNKS_PER_TILE = EDGES_PAD // (NS * CHUNK)
ACC_ROWS = 10240
ROWS_PER_TILE = ACC_ROWS // NS
DUMP_ROW = N_NODES
NBUF = 4
LAG = NBUF // 2


def _make_sc_agg(with_deg: bool):
  mesh = plsc.VectorSubcoreMesh(
      core_axis_name="c", subcore_axis_name="s", num_cores=NC)

  out_type = [jax.ShapeDtypeStruct((NC, ACC_ROWS, H), jnp.float32)]
  scratch = [
      pltpu.VMEM((CHUNKS_PER_TILE, CHUNK), jnp.int32),
      pltpu.VMEM((CHUNKS_PER_TILE, CHUNK), jnp.int32),
      [pltpu.VMEM((CHUNK, H), jnp.float32)] * NBUF,
      pltpu.VMEM((CHUNK, H), jnp.float32),
      pltpu.VMEM_SHARED((ACC_ROWS, H), jnp.float32),
      [pltpu.SemaphoreType.DMA] * NBUF,
      [pltpu.SemaphoreType.DMA] * NBUF,
  ]
  if with_deg:
    out_type.append(jax.ShapeDtypeStruct((NC, ACC_ROWS), jnp.float32))
    scratch.append(pltpu.VMEM((CHUNK,), jnp.float32))
    scratch.append(pltpu.VMEM((ROWS_PER_TILE,), jnp.float32))
    scratch.append(pltpu.VMEM_SHARED((ACC_ROWS,), jnp.float32))
    scratch.append(pltpu.SemaphoreType.DMA)

  def body(xw_hbm, src_hbm, dst_hbm, *rest):
    if with_deg:
      (agg_hbm, deg_hbm, src_idx, dst_idx, rows, zeros, acc, gsem, ssem,
       ones, zeros1, dacc, dsem) = rest
    else:
      agg_hbm, src_idx, dst_idx, rows, zeros, acc, gsem, ssem = rest
      deg_hbm = ones = zeros1 = dacc = dsem = None
    cid = lax.axis_index("c")
    sid = lax.axis_index("s")
    zvec = jnp.zeros((16,), jnp.float32)

    @pl.loop(0, CHUNK)
    def _zero(r):
      for j in range(H // 16):
        zeros[r, pl.ds(16 * j, 16)] = zvec

    if with_deg:
      @pl.loop(0, CHUNK // 16)
      def _ones(r):
        ones[pl.ds(16 * r, 16)] = zvec + 1.0

      @pl.loop(0, ROWS_PER_TILE // 16)
      def _zero1(r):
        zeros1[pl.ds(16 * r, 16)] = zvec

    base = sid * ROWS_PER_TILE
    for k in range(ROWS_PER_TILE // CHUNK):
      pltpu.sync_copy(zeros, acc.at[pl.ds(base + k * CHUNK, CHUNK)])
    if with_deg:
      pltpu.sync_copy(zeros1, dacc.at[pl.ds(base, ROWS_PER_TILE)])
    plsc.subcore_barrier()

    pltpu.sync_copy(src_hbm.at[cid, sid], src_idx)
    pltpu.sync_copy(dst_hbm.at[sid], dst_idx)

    for b in range(NBUF):
      pltpu.async_copy(xw_hbm.at[src_idx.at[b]], rows[b], gsem[b])

    @pl.loop(0, CHUNKS_PER_TILE, step=NBUF)
    def _edges(j0):
      for b in range(NBUF):
        jb = j0 + b
        pltpu.make_async_copy(
            xw_hbm.at[src_idx.at[jb]], rows[b], gsem[b]).wait()
        pltpu.async_copy(rows[b], acc.at[dst_idx.at[jb]], ssem[b], add=True)
        if with_deg:
          @pl.when((jb < CHUNKS_PER_TILE // 2) == (cid == 0))
          def _():
            pltpu.async_copy(ones, dacc.at[dst_idx.at[jb]], dsem, add=True)
        br = (b + LAG) % NBUF

        @pl.when(jb >= NBUF - LAG)
        def _():
          pltpu.make_async_copy(
              rows[br], acc.at[dst_idx.at[jb]], ssem[br]).wait()

        @pl.when(jnp.logical_and(jb >= NBUF - LAG,
                                 jb + LAG < CHUNKS_PER_TILE))
        def _():
          pltpu.async_copy(
              xw_hbm.at[src_idx.at[jb + LAG]], rows[br], gsem[br])

    for b in range(LAG, NBUF):
      pltpu.make_async_copy(rows[b], acc.at[dst_idx.at[0]], ssem[b]).wait()
    if with_deg:
      @pl.loop(0, CHUNKS_PER_TILE // 2)
      def _dd(i):
        pltpu.make_async_copy(ones, dacc.at[dst_idx.at[0]], dsem).wait()

    plsc.subcore_barrier()
    pltpu.sync_copy(acc.at[pl.ds(base, ROWS_PER_TILE)],
                    agg_hbm.at[cid, pl.ds(base, ROWS_PER_TILE)])
    if with_deg:
      pltpu.sync_copy(dacc.at[pl.ds(base, ROWS_PER_TILE)],
                      deg_hbm.at[cid, pl.ds(base, ROWS_PER_TILE)])

  return pl.kernel(
      body, out_type=out_type, mesh=mesh, scratch_types=scratch,
      compiler_params=pltpu.CompilerParams(use_tc_tiling_on_sc=False))


_sc_agg_deg = _make_sc_agg(True)
_sc_agg = _make_sc_agg(False)


_BLK = 1024
_GRID = ACC_ROWS // _BLK


def _inv_col(deg_ref):
  inv = 1.0 / jnp.maximum(deg_ref[0] + deg_ref[1], 1.0)
  r = lax.broadcasted_iota(jnp.int32, (_BLK, _BLK // D), 0)
  p = (lax.broadcasted_iota(jnp.int32, (_BLK, _BLK // D), 1) ==
       r // D).astype(jnp.float32)
  q = jnp.dot(p, inv, preferred_element_type=jnp.float32)
  rm = lax.broadcasted_iota(jnp.int32, (_BLK, D), 0) % D
  c = lax.broadcasted_iota(jnp.int32, (_BLK, D), 1)
  sel = (c == rm).astype(jnp.float32)
  return jnp.sum(q * sel, axis=1, keepdims=True)


def _halves(x):
  return x[:, :H], x[:, H:]


def _tc_pre_body(x_ref, wn_ref, ws_ref, b_ref, xw_ref, xs_ref):
  x = x_ref[...]
  xw = jnp.dot(x, wn_ref[...], preferred_element_type=jnp.float32)
  a, b = _halves(xw)
  xw_ref[0] = a
  xw_ref[1] = b
  xs_ref[...] = (jnp.dot(x, ws_ref[...], preferred_element_type=jnp.float32)
                 + b_ref[...])


def _tc_mid_body(xs_ref, agg_ref, deg_ref, wn_ref, ws_ref, b_ref,
                 xw2_ref, xs2_ref):
  a = jnp.concatenate([agg_ref[0], agg_ref[1]], axis=-1)
  h = jnp.maximum(xs_ref[...] + a * _inv_col(deg_ref), 0.0)
  xw2 = jnp.dot(h, wn_ref[...], preferred_element_type=jnp.float32)
  p, q = _halves(xw2)
  xw2_ref[0] = p
  xw2_ref[1] = q
  xs2_ref[...] = (jnp.dot(h, ws_ref[...], preferred_element_type=jnp.float32)
                  + b_ref[...])


def _tc_post_body(xs2_ref, agg_ref, deg_ref, out_ref):
  a = jnp.concatenate([agg_ref[0], agg_ref[1]], axis=-1)
  out_ref[...] = xs2_ref[...] + a * _inv_col(deg_ref)


_row_spec = pl.BlockSpec((_BLK, D), lambda i: (i, 0))
_half_spec = pl.BlockSpec((NC, _BLK, H), lambda i: (0, i, 0))
_deg_spec = pl.BlockSpec((NC, _BLK // D, D), lambda i: (0, i, 0))
_w_spec = pl.BlockSpec((D, D), lambda i: (0, 0))
_b_spec = pl.BlockSpec((1, D), lambda i: (0, 0))

_half_shape = jax.ShapeDtypeStruct((NC, ACC_ROWS, H), jnp.float32)
_row_shape = jax.ShapeDtypeStruct((ACC_ROWS, D), jnp.float32)

_tc_pre = pl.pallas_call(
    _tc_pre_body,
    grid=(_GRID,),
    in_specs=[_row_spec, _w_spec, _w_spec, _b_spec],
    out_specs=[_half_spec, _row_spec],
    out_shape=[_half_shape, _row_shape],
)

_tc_mid = pl.pallas_call(
    _tc_mid_body,
    grid=(_GRID,),
    in_specs=[_row_spec, _half_spec, _deg_spec, _w_spec, _w_spec, _b_spec],
    out_specs=[_half_spec, _row_spec],
    out_shape=[_half_shape, _row_shape],
)

_tc_post = pl.pallas_call(
    _tc_post_body,
    grid=(_GRID,),
    in_specs=[_row_spec, _half_spec, _deg_spec],
    out_specs=_row_spec,
    out_shape=_row_shape,
)


@jax.jit
def kernel(features, edge_index, W_self1, W_neigh1, b1, W_self2, W_neigh2,
           b2):
  pad = EDGES_PAD - N_EDGES
  src = jnp.concatenate([edge_index[0], jnp.zeros((pad,), jnp.int32)])
  dst = jnp.concatenate(
      [edge_index[1], jnp.full((pad,), DUMP_ROW, jnp.int32)])
  src_b = src.reshape(NS, CHUNKS_PER_TILE, CHUNK)
  src_r = jnp.stack([src_b, src_b + ACC_ROWS])
  dst_r = dst.reshape(NS, CHUNKS_PER_TILE, CHUNK)
  x_pad = jnp.concatenate(
      [features, jnp.zeros((ACC_ROWS - N_NODES, D), jnp.float32)])
  b1r = b1.reshape(1, D)
  b2r = b2.reshape(1, D)

  xw1, xs1 = _tc_pre(x_pad, W_neigh1, W_self1, b1r)
  agg1, deg = _sc_agg_deg(xw1.reshape(NC * ACC_ROWS, H), src_r, dst_r)
  deg_r = deg.reshape(NC, ACC_ROWS // D, D)
  xw2, xs2 = _tc_mid(xs1, agg1, deg_r, W_neigh2, W_self2, b2r)
  (agg2,) = _sc_agg(xw2.reshape(NC * ACC_ROWS, H), src_r, dst_r)
  out = _tc_post(xs2, agg2, deg_r)
  return out[:N_NODES]

# --- scband reference (transcript-rebuilt; emitter-appended) ---
"""Pipeline reference for scband-graph-sage-17162689314844 (READ-ONLY COPY).

The authoritative reference and input builder live on the scoring server;
editing this copy changes nothing except your own understanding.
"""

import jax, jax.numpy as jnp
import numpy as np

N_NODES = 10000
N_EDGES = 320000
D_IN = 128
D_HID = 128
D_OUT = 128


def _glorot(key, shape):
    fan_in, fan_out = shape[0], shape[1]
    limit = np.sqrt(6.0 / (fan_in + fan_out))
    return jax.random.uniform(key, shape, jnp.float32, -limit, limit)


def setup_inputs(seed: int = 0):
    key = jax.random.key(seed)
    ks = jax.random.split(key, 8)
    features = jax.random.normal(ks[0], (N_NODES, D_IN), dtype=jnp.float32)
    edge_index = jax.random.randint(ks[1], (2, N_EDGES), 0, N_NODES, dtype=jnp.int32)
    W_self1 = _glorot(ks[2], (D_IN, D_HID))
    W_neigh1 = _glorot(ks[3], (D_IN, D_HID))
    b1 = jnp.zeros((D_HID,), jnp.float32)
    W_self2 = _glorot(ks[4], (D_HID, D_OUT))
    W_neigh2 = _glorot(ks[5], (D_HID, D_OUT))
    b2 = jnp.zeros((D_OUT,), jnp.float32)
    return {
        "features": features,
        "edge_index": edge_index,
        "W_self1": W_self1,
        "W_neigh1": W_neigh1,
        "b1": b1,
        "W_self2": W_self2,
        "W_neigh2": W_neigh2,
        "b2": b2,
    }


def _sage_conv(x, edge_index, W_self, W_neigh, b, apply_relu):
    src = edge_index[0]
    dst = edge_index[1]
    msg = jnp.take(x, src, axis=0)
    agg = jax.ops.segment_sum(msg, dst, num_segments=N_NODES)
    deg = jax.ops.segment_sum(jnp.ones((msg.shape[0],), x.dtype), dst, num_segments=N_NODES)
    h_neigh = agg / jnp.maximum(deg, 1.0)[:, None]
    out = x @ W_self + h_neigh @ W_neigh + b
    if apply_relu:
        out = jax.nn.relu(out)
    return out


def reference(features, edge_index, W_self1, W_neigh1, b1, W_self2, W_neigh2, b2):
    h = _sage_conv(features, edge_index, W_self1, W_neigh1, b1, True)
    out = _sage_conv(h, edge_index, W_self2, W_neigh2, b2, False)
    return out

if __name__ == "__main__":
    import jax
    _d = setup_inputs()
    print(jax.jit(kernel)(*tuple(_d.values())))

</pallas_src>

<mosaic_0001>
#map = affine_map<(d0, d1) -> (0, 0)>
#map1 = affine_map<(d0, d1) -> (0, 0, 0, 0)>
#map2 = affine_map<(d0, d1) -> (0, 0, 0)>
module attributes {stable_mosaic.version = 14 : i64} {
  func.func @body(%arg0: i32, %arg1: i32, %arg2: memref<20480x64xf32, #tpu.memory_space<hbm>>, %arg3: memref<2x16x160x128xi32, #tpu.memory_space<hbm>>, %arg4: memref<16x160x128xi32, #tpu.memory_space<hbm>>, %arg5: memref<2x10240x64xf32, #tpu.memory_space<hbm>>, %arg6: memref<160x128xi32, #tpu.memory_space<vmem>>, %arg7: memref<160x128xi32, #tpu.memory_space<vmem>>, %arg8: memref<128x64xf32, #tpu.memory_space<vmem>>, %arg9: memref<128x64xf32, #tpu.memory_space<vmem>>, %arg10: memref<128x64xf32, #tpu.memory_space<vmem>>, %arg11: memref<128x64xf32, #tpu.memory_space<vmem>>, %arg12: memref<128x64xf32, #tpu.memory_space<vmem>>, %arg13: memref<10240x64xf32, #tpu.memory_space<vmem_shared>>, %arg14: memref<!tpu.dma_semaphore, #tpu.memory_space<semaphore_mem>>, %arg15: memref<!tpu.dma_semaphore, #tpu.memory_space<semaphore_mem>>, %arg16: memref<!tpu.dma_semaphore, #tpu.memory_space<semaphore_mem>>, %arg17: memref<!tpu.dma_semaphore, #tpu.memory_space<semaphore_mem>>, %arg18: memref<!tpu.dma_semaphore, #tpu.memory_space<semaphore_mem>>, %arg19: memref<!tpu.dma_semaphore, #tpu.memory_space<semaphore_mem>>, %arg20: memref<!tpu.dma_semaphore, #tpu.memory_space<semaphore_mem>>, %arg21: memref<!tpu.dma_semaphore, #tpu.memory_space<semaphore_mem>>) attributes {dimension_semantics = [#tpu.dimension_semantics<core_parallel>, #tpu.dimension_semantics<subcore_parallel>], iteration_bounds = array<i64: 2, 16>, scalar_prefetch = 0 : i64, scratch_operands = 16 : i64, tpu.core_type = #tpu.core_type<sc_vector_subcore>, window_params = [{transform_indices = #map}, {transform_indices = #map1}, {transform_indices = #map2}, {transform_indices = #map2}]} {
    %broadcast_in_dim3A = arith.constant 0.000000e+00 : f32
    %broadcast_in_dim3A_0 = vector.broadcast %broadcast_in_dim3A : f32 to vector<16xf32>
    %scan3A = arith.constant 0 : i32
    %scan3A_1 = arith.constant 128 : i32
    %scan3A_2 = arith.addi %scan3A, %scan3A_1 : i32
    %scan3A_3 = arith.constant 1 : i32
    scf.for %scan3A_61 = %scan3A to %scan3A_2 step %scan3A_3  : i32 {
      %mul3A_62 = arith.constant 1 : i32
      %mul3A_63 = arith.muli %scan3A_61, %mul3A_62 : i32
      %add3A_64 = arith.constant 0 : i32
      %add3A_65 = arith.addi %add3A_64, %mul3A_63 : i32
      %swap3A = arith.index_cast %add3A_65 : i32 to index
      %swap3A_66 = arith.constant 0 : index
      %swap3A_67 = tpu.vector_load %arg12[%swap3A, %swap3A_66] {strides = array<i32>} : memref<128x64xf32, #tpu.memory_space<vmem>>, vector<1x16xf32>,
      %swap3A_68 = vector.shape_cast %swap3A_67 : vector<1x16xf32> to vector<16xf32>
      %swap3A_69 = vector.shape_cast %broadcast_in_dim3A_0 : vector<16xf32> to vector<1x16xf32>
      tpu.vector_store %arg12[%swap3A, %swap3A_66], %swap3A_69 {strides = array<i32>} : memref<128x64xf32, #tpu.memory_space<vmem>>, vector<1x16xf32>,
      %swap3A_70 = arith.index_cast %add3A_65 : i32 to index
      %swap3A_71 = arith.constant 16 : index
      %swap3A_72 = tpu.vector_load %arg12[%swap3A_70, %swap3A_71] {strides = array<i32>} : memref<128x64xf32, #tpu.memory_space<vmem>>, vector<1x16xf32>,
      %swap3A_73 = vector.shape_cast %swap3A_72 : vector<1x16xf32> to vector<16xf32>
      %swap3A_74 = vector.shape_cast %broadcast_in_dim3A_0 : vector<16xf32> to vector<1x16xf32>
      tpu.vector_store %arg12[%swap3A_70, %swap3A_71], %swap3A_74 {strides = array<i32>} : memref<128x64xf32, #tpu.memory_space<vmem>>, vector<1x16xf32>,
      %swap3A_75 = arith.index_cast %add3A_65 : i32 to index
      %swap3A_76 = arith.constant 32 : index
      %swap3A_77 = tpu.vector_load %arg12[%swap3A_75, %swap3A_76] {strides = array<i32>} : memref<128x64xf32, #tpu.memory_space<vmem>>, vector<1x16xf32>,
      %swap3A_78 = vector.shape_cast %swap3A_77 : vector<1x16xf32> to vector<16xf32>
      %swap3A_79 = vector.shape_cast %broadcast_in_dim3A_0 : vector<16xf32> to vector<1x16xf32>
      tpu.vector_store %arg12[%swap3A_75, %swap3A_76], %swap3A_79 {strides = array<i32>} : memref<128x64xf32, #tpu.memory_space<vmem>>, vector<1x16xf32>,
      %swap3A_80 = arith.index_cast %add3A_65 : i32 to index
      %swap3A_81 = arith.constant 48 : index
      %swap3A_82 = tpu.vector_load %arg12[%swap3A_80, %swap3A_81] {strides = array<i32>} : memref<128x64xf32, #tpu.memory_space<vmem>>, vector<1x16xf32>,
      %swap3A_83 = vector.shape_cast %swap3A_82 : vector<1x16xf32> to vector<16xf32>
      %swap3A_84 = vector.shape_cast %broadcast_in_dim3A_0 : vector<16xf32> to vector<1x16xf32>
      tpu.vector_store %arg12[%swap3A_80, %swap3A_81], %swap3A_84 {strides = array<i32>} : memref<128x64xf32, #tpu.memory_space<vmem>>, vector<1x16xf32>,
    }
    %scan3A_4 = arith.constant 128 : i32
    %mul3A = arith.constant 640 : i32
    %mul3A_5 = arith.muli %arg1, %mul3A : i32
    %add3A = arith.constant 0 : i32
    %add3A_6 = arith.addi %mul3A_5, %add3A : i32
    "tpu.region"() ({
      %run_scoped3A = tpu.sem_alloc : memref<!tpu.dma_semaphore, #tpu.memory_space<semaphore_mem>>
      %dma_start3A_61 = arith.constant 0 : i32
      %dma_start3A_62 = tpu.memref_slice %arg13[%add3A_6, %dma_start3A_61] : memref<10240x64xf32, #tpu.memory_space<vmem_shared>> -> memref<128x64xf32, #tpu.memory_space<vmem_shared>>
      %dma_start3A_63 = arith.constant 0 : i32
      %dma_start3A_64 = tpu.memref_slice %arg13[%add3A_6, %dma_start3A_63] : memref<10240x64xf32, #tpu.memory_space<vmem_shared>> -> memref<128x64xf32, #tpu.memory_space<vmem_shared>>
      tpu.enqueue_dma source(%arg12 : memref<128x64xf32, #tpu.memory_space<vmem>>) target(%dma_start3A_64 : memref<128x64xf32, #tpu.memory_space<vmem_shared>>) target_semaphore(%run_scoped3A : memref<!tpu.dma_semaphore, #tpu.memory_space<semaphore_mem>>)
      %dma_wait3A_65 = arith.constant 0 : i32
      %dma_wait3A_66 = tpu.memref_slice %arg13[%add3A_6, %dma_wait3A_65] : memref<10240x64xf32, #tpu.memory_space<vmem_shared>> -> memref<128x64xf32, #tpu.memory_space<vmem_shared>>
      %dma_wait3A_67 = arith.constant 0 : i32
      %dma_wait3A_68 = tpu.memref_slice %arg13[%add3A_6, %dma_wait3A_67] : memref<10240x64xf32, #tpu.memory_space<vmem_shared>> -> memref<128x64xf32, #tpu.memory_space<vmem_shared>>
      tpu.wait_dma2 semaphore(%run_scoped3A : memref<!tpu.dma_semaphore, #tpu.memory_space<semaphore_mem>>) src(%arg12 : memref<128x64xf32, #tpu.memory_space<vmem>>) dst(%dma_wait3A_68 : memref<128x64xf32, #tpu.memory_space<vmem_shared>>)
      tpu.yield
    }) : () -> ()
    %add3A_7 = arith.constant 128 : i32
    %add3A_8 = arith.addi %mul3A_5, %add3A_7 : i32
    "tpu.region"() ({
      %run_scoped3A = tpu.sem_alloc : memref<!tpu.dma_semaphore, #tpu.memory_space<semaphore_mem>>
      %dma_start3A_61 = arith.constant 0 : i32
      %dma_start3A_62 = tpu.memref_slice %arg13[%add3A_8, %dma_start3A_61] : memref<10240x64xf32, #tpu.memory_space<vmem_shared>> -> memref<128x64xf32, #tpu.memory_space<vmem_shared>>
      %dma_start3A_63 = arith.constant 0 : i32
      %dma_start3A_64 = tpu.memref_slice %arg13[%add3A_8, %dma_start3A_63] : memref<10240x64xf32, #tpu.memory_space<vmem_shared>> -> memref<128x64xf32, #tpu.memory_space<vmem_shared>>
      tpu.enqueue_dma source(%arg12 : memref<128x64xf32, #tpu.memory_space<vmem>>) target(%dma_start3A_64 : memref<128x64xf32, #tpu.memory_space<vmem_shared>>) target_semaphore(%run_scoped3A : memref<!tpu.dma_semaphore, #tpu.memory_space<semaphore_mem>>)
      %dma_wait3A_65 = arith.constant 0 : i32
      %dma_wait3A_66 = tpu.memref_slice %arg13[%add3A_8, %dma_wait3A_65] : memref<10240x64xf32, #tpu.memory_space<vmem_shared>> -> memref<128x64xf32, #tpu.memory_space<vmem_shared>>
      %dma_wait3A_67 = arith.constant 0 : i32
      %dma_wait3A_68 = tpu.memref_slice %arg13[%add3A_8, %dma_wait3A_67] : memref<10240x64xf32, #tpu.memory_space<vmem_shared>> -> memref<128x64xf32, #tpu.memory_space<vmem_shared>>
      tpu.wait_dma2 semaphore(%run_scoped3A : memref<!tpu.dma_semaphore, #tpu.memory_space<semaphore_mem>>) src(%arg12 : memref<128x64xf32, #tpu.memory_space<vmem>>) dst(%dma_wait3A_68 : memref<128x64xf32, #tpu.memory_space<vmem_shared>>)
      tpu.yield
    }) : () -> ()
    %add3A_9 = arith.constant 256 : i32
    %add3A_10 = arith.addi %mul3A_5, %add3A_9 : i32
    "tpu.region"() ({
      %run_scoped3A = tpu.sem_alloc : memref<!tpu.dma_semaphore, #tpu.memory_space<semaphore_mem>>
      %dma_start3A_61 = arith.constant 0 : i32
      %dma_start3A_62 = tpu.memref_slice %arg13[%add3A_10, %dma_start3A_61] : memref<10240x64xf32, #tpu.memory_space<vmem_shared>> -> memref<128x64xf32, #tpu.memory_space<vmem_shared>>
      %dma_start3A_63 = arith.constant 0 : i32
      %dma_start3A_64 = tpu.memref_slice %arg13[%add3A_10, %dma_start3A_63] : memref<10240x64xf32, #tpu.memory_space<vmem_shared>> -> memref<128x64xf32, #tpu.memory_space<vmem_shared>>
      tpu.enqueue_dma source(%arg12 : memref<128x64xf32, #tpu.memory_space<vmem>>) target(%dma_start3A_64 : memref<128x64xf32, #tpu.memory_space<vmem_shared>>) target_semaphore(%run_scoped3A : memref<!tpu.dma_semaphore, #tpu.memory_space<semaphore_mem>>)
      %dma_wait3A_65 = arith.constant 0 : i32
      %dma_wait3A_66 = tpu.memref_slice %arg13[%add3A_10, %dma_wait3A_65] : memref<10240x64xf32, #tpu.memory_space<vmem_shared>> -> memref<128x64xf32, #tpu.memory_space<vmem_shared>>
      %dma_wait3A_67 = arith.constant 0 : i32
      %dma_wait3A_68 = tpu.memref_slice %arg13[%add3A_10, %dma_wait3A_67] : memref<10240x64xf32, #tpu.memory_space<vmem_shared>> -> memref<128x64xf32, #tpu.memory_space<vmem_shared>>
      tpu.wait_dma2 semaphore(%run_scoped3A : memref<!tpu.dma_semaphore, #tpu.memory_space<semaphore_mem>>) src(%arg12 : memref<128x64xf32, #tpu.memory_space<vmem>>) dst(%dma_wait3A_68 : memref<128x64xf32, #tpu.memory_space<vmem_shared>>)
      tpu.yield
    }) : () -> ()
    %add3A_11 = arith.constant 384 : i32
    %add3A_12 = arith.addi %mul3A_5, %add3A_11 : i32
    "tpu.region"() ({
      %run_scoped3A = tpu.sem_alloc : memref<!tpu.dma_semaphore, #tpu.memory_space<semaphore_mem>>
      %dma_start3A_61 = arith.constant 0 : i32
      %dma_start3A_62 = tpu.memref_slice %arg13[%add3A_12, %dma_start3A_61] : memref<10240x64xf32, #tpu.memory_space<vmem_shared>> -> memref<128x64xf32, #tpu.memory_space<vmem_shared>>
      %dma_start3A_63 = arith.constant 0 : i32
      %dma_start3A_64 = tpu.memref_slice %arg13[%add3A_12, %dma_start3A_63] : memref<10240x64xf32, #tpu.memory_space<vmem_shared>> -> memref<128x64xf32, #tpu.memory_space<vmem_shared>>
      tpu.enqueue_dma source(%arg12 : memref<128x64xf32, #tpu.memory_space<vmem>>) target(%dma_start3A_64 : memref<128x64xf32, #tpu.memory_space<vmem_shared>>) target_semaphore(%run_scoped3A : memref<!tpu.dma_semaphore, #tpu.memory_space<semaphore_mem>>)
      %dma_wait3A_65 = arith.constant 0 : i32
      %dma_wait3A_66 = tpu.memref_slice %arg13[%add3A_12, %dma_wait3A_65] : memref<10240x64xf32, #tpu.memory_space<vmem_shared>> -> memref<128x64xf32, #tpu.memory_space<vmem_shared>>
      %dma_wait3A_67 = arith.constant 0 : i32
      %dma_wait3A_68 = tpu.memref_slice %arg13[%add3A_12, %dma_wait3A_67] : memref<10240x64xf32, #tpu.memory_space<vmem_shared>> -> memref<128x64xf32, #tpu.memory_space<vmem_shared>>
      tpu.wait_dma2 semaphore(%run_scoped3A : memref<!tpu.dma_semaphore, #tpu.memory_space<semaphore_mem>>) src(%arg12 : memref<128x64xf32, #tpu.memory_space<vmem>>) dst(%dma_wait3A_68 : memref<128x64xf32, #tpu.memory_space<vmem_shared>>)
      tpu.yield
    }) : () -> ()
    %add3A_13 = arith.constant 512 : i32
    %add3A_14 = arith.addi %mul3A_5, %add3A_13 : i32
    "tpu.region"() ({
      %run_scoped3A = tpu.sem_alloc : memref<!tpu.dma_semaphore, #tpu.memory_space<semaphore_mem>>
      %dma_start3A_61 = arith.constant 0 : i32
      %dma_start3A_62 = tpu.memref_slice %arg13[%add3A_14, %dma_start3A_61] : memref<10240x64xf32, #tpu.memory_space<vmem_shared>> -> memref<128x64xf32, #tpu.memory_space<vmem_shared>>
      %dma_start3A_63 = arith.constant 0 : i32
      %dma_start3A_64 = tpu.memref_slice %arg13[%add3A_14, %dma_start3A_63] : memref<10240x64xf32, #tpu.memory_space<vmem_shared>> -> memref<128x64xf32, #tpu.memory_space<vmem_shared>>
      tpu.enqueue_dma source(%arg12 : memref<128x64xf32, #tpu.memory_space<vmem>>) target(%dma_start3A_64 : memref<128x64xf32, #tpu.memory_space<vmem_shared>>) target_semaphore(%run_scoped3A : memref<!tpu.dma_semaphore, #tpu.memory_space<semaphore_mem>>)
      %dma_wait3A_65 = arith.constant 0 : i32
      %dma_wait3A_66 = tpu.memref_slice %arg13[%add3A_14, %dma_wait3A_65] : memref<10240x64xf32, #tpu.memory_space<vmem_shared>> -> memref<128x64xf32, #tpu.memory_space<vmem_shared>>
      %dma_wait3A_67 = arith.constant 0 : i32
      %dma_wait3A_68 = tpu.memref_slice %arg13[%add3A_14, %dma_wait3A_67] : memref<10240x64xf32, #tpu.memory_space<vmem_shared>> -> memref<128x64xf32, #tpu.memory_space<vmem_shared>>
      tpu.wait_dma2 semaphore(%run_scoped3A : memref<!tpu.dma_semaphore, #tpu.memory_space<semaphore_mem>>) src(%arg12 : memref<128x64xf32, #tpu.memory_space<vmem>>) dst(%dma_wait3A_68 : memref<128x64xf32, #tpu.memory_space<vmem_shared>>)
      tpu.yield
    }) : () -> ()
    %barrier3A = arith.constant 0 : index
    tpu.barrier barrier_id(%barrier3A)
    "tpu.region"() ({
      %run_scoped3A = tpu.sem_alloc : memref<!tpu.dma_semaphore, #tpu.memory_space<semaphore_mem>>
      %dma_start3A_61 = arith.constant 0 : i32
      %dma_start3A_62 = arith.constant 0 : i32
      %dma_start3A_63 = tpu.memref_slice %arg3[%arg0, %arg1, %dma_start3A_61, %dma_start3A_62] : memref<2x16x160x128xi32, #tpu.memory_space<hbm>> -> memref<1x1x160x128xi32, #tpu.memory_space<hbm>>
      %dma_start3A_64 = tpu.memref_squeeze %dma_start3A_63 : memref<1x1x160x128xi32, #tpu.memory_space<hbm>> -> memref<160x128xi32, #tpu.memory_space<hbm>>
      %dma_start3A_65 = arith.constant 0 : i32
      %dma_start3A_66 = arith.constant 0 : i32
      %dma_start3A_67 = tpu.memref_slice %arg3[%arg0, %arg1, %dma_start3A_65, %dma_start3A_66] : memref<2x16x160x128xi32, #tpu.memory_space<hbm>> -> memref<1x1x160x128xi32, #tpu.memory_space<hbm>>
      %dma_start3A_68 = tpu.memref_squeeze %dma_start3A_67 : memref<1x1x160x128xi32, #tpu.memory_space<hbm>> -> memref<160x128xi32, #tpu.memory_space<hbm>>
      tpu.enqueue_dma source(%dma_start3A_68 : memref<160x128xi32, #tpu.memory_space<hbm>>) target(%arg6 : memref<160x128xi32, #tpu.memory_space<vmem>>) target_semaphore(%run_scoped3A : memref<!tpu.dma_semaphore, #tpu.memory_space<semaphore_mem>>)
      %dma_wait3A_69 = arith.constant 0 : i32
      %dma_wait3A_70 = arith.constant 0 : i32
      %dma_wait3A_71 = tpu.memref_slice %arg3[%arg0, %arg1, %dma_wait3A_69, %dma_wait3A_70] : memref<2x16x160x128xi32, #tpu.memory_space<hbm>> -> memref<1x1x160x128xi32, #tpu.memory_space<hbm>>
      %dma_wait3A_72 = tpu.memref_squeeze %dma_wait3A_71 : memref<1x1x160x128xi32, #tpu.memory_space<hbm>> -> memref<160x128xi32, #tpu.memory_space<hbm>>
      %dma_wait3A_73 = arith.constant 0 : i32
      %dma_wait3A_74 = arith.constant 0 : i32
      %dma_wait3A_75 = tpu.memref_slice %arg3[%arg0, %arg1, %dma_wait3A_73, %dma_wait3A_74] : memref<2x16x160x128xi32, #tpu.memory_space<hbm>> -> memref<1x1x160x128xi32, #tpu.memory_space<hbm>>
      %dma_wait3A_76 = tpu.memref_squeeze %dma_wait3A_75 : memref<1x1x160x128xi32, #tpu.memory_space<hbm>> -> memref<160x128xi32, #tpu.memory_space<hbm>>
      tpu.wait_dma2 semaphore(%run_scoped3A : memref<!tpu.dma_semaphore, #tpu.memory_space<semaphore_mem>>) src(%dma_wait3A_76 : memref<160x128xi32, #tpu.memory_space<hbm>>) dst(%arg6 : memref<160x128xi32, #tpu.memory_space<vmem>>)
      tpu.yield
    }) : () -> ()
    "tpu.region"() ({
      %run_scoped3A = tpu.sem_alloc : memref<!tpu.dma_semaphore, #tpu.memory_space<semaphore_mem>>
      %dma_start3A_61 = arith.constant 0 : i32
      %dma_start3A_62 = arith.constant 0 : i32
      %dma_start3A_63 = tpu.memref_slice %arg4[%arg1, %dma_start3A_61, %dma_start3A_62] : memref<16x160x128xi32, #tpu.memory_space<hbm>> -> memref<1x160x128xi32, #tpu.memory_space<hbm>>
      %dma_start3A_64 = tpu.memref_squeeze %dma_start3A_63 : memref<1x160x128xi32, #tpu.memory_space<hbm>> -> memref<160x128xi32, #tpu.memory_space<hbm>>
      %dma_start3A_65 = arith.constant 0 : i32
      %dma_start3A_66 = arith.constant 0 : i32
      %dma_start3A_67 = tpu.memref_slice %arg4[%arg1, %dma_start3A_65, %dma_start3A_66] : memref<16x160x128xi32, #tpu.memory_space<hbm>> -> memref<1x160x128xi32, #tpu.memory_space<hbm>>
      %dma_start3A_68 = tpu.memref_squeeze %dma_start3A_67 : memref<1x160x128xi32, #tpu.memory_space<hbm>> -> memref<160x128xi32, #tpu.memory_space<hbm>>
      tpu.enqueue_dma source(%dma_start3A_68 : memref<160x128xi32, #tpu.memory_space<hbm>>) target(%arg7 : memref<160x128xi32, #tpu.memory_space<vmem>>) target_semaphore(%run_scoped3A : memref<!tpu.dma_semaphore, #tpu.memory_space<semaphore_mem>>)
      %dma_wait3A_69 = arith.constant 0 : i32
      %dma_wait3A_70 = arith.constant 0 : i32
      %dma_wait3A_71 = tpu.memref_slice %arg4[%arg1, %dma_wait3A_69, %dma_wait3A_70] : memref<16x160x128xi32, #tpu.memory_space<hbm>> -> memref<1x160x128xi32, #tpu.memory_space<hbm>>
      %dma_wait3A_72 = tpu.memref_squeeze %dma_wait3A_71 : memref<1x160x128xi32, #tpu.memory_space<hbm>> -> memref<160x128xi32, #tpu.memory_space<hbm>>
      %dma_wait3A_73 = arith.constant 0 : i32
      %dma_wait3A_74 = arith.constant 0 : i32
      %dma_wait3A_75 = tpu.memref_slice %arg4[%arg1, %dma_wait3A_73, %dma_wait3A_74] : memref<16x160x128xi32, #tpu.memory_space<hbm>> -> memref<1x160x128xi32, #tpu.memory_space<hbm>>
      %dma_wait3A_76 = tpu.memref_squeeze %dma_wait3A_75 : memref<1x160x128xi32, #tpu.memory_space<hbm>> -> memref<160x128xi32, #tpu.memory_space<hbm>>
      tpu.wait_dma2 semaphore(%run_scoped3A : memref<!tpu.dma_semaphore, #tpu.memory_space<semaphore_mem>>) src(%dma_wait3A_76 : memref<160x128xi32, #tpu.memory_space<hbm>>) dst(%arg7 : memref<160x128xi32, #tpu.memory_space<vmem>>)
      tpu.yield
    }) : () -> ()
    %dma_start3A = arith.constant 0 : i32
    %dma_start3A_15 = arith.constant 0 : i32
    %dma_start3A_16 = tpu.memref_slice %arg6[%dma_start3A, %dma_start3A_15] : memref<160x128xi32, #tpu.memory_space<vmem>> -> memref<1x128xi32, #tpu.memory_space<vmem>>
    %dma_start3A_17 = tpu.memref_squeeze %dma_start3A_16 : memref<1x128xi32, #tpu.memory_space<vmem>> -> memref<128xi32, #tpu.memory_space<vmem>>
    %dma_start3A_18 = arith.constant 0 : i32
    %dma_start3A_19 = arith.constant 0 : i32
    %dma_start3A_20 = tpu.memref_slice %arg2[%dma_start3A_18, %dma_start3A_19] : memref<20480x64xf32, #tpu.memory_space<hbm>> -> memref<20480x64xf32, #tpu.memory_space<hbm>>
    tpu.enqueue_indirect_dma source(%dma_start3A_20 : memref<20480x64xf32, #tpu.memory_space<hbm>>) target(%arg8 : memref<128x64xf32, #tpu.memory_space<vmem>>) offsets(%dma_start3A_17 : memref<128xi32, #tpu.memory_space<vmem>>) semaphore(%arg14 : memref<!tpu.dma_semaphore, #tpu.memory_space<semaphore_mem>>)
    %dma_start3A_21 = arith.constant 1 : i32
    %dma_start3A_22 = arith.constant 0 : i32
    %dma_start3A_23 = tpu.memref_slice %arg6[%dma_start3A_21, %dma_start3A_22] : memref<160x128xi32, #tpu.memory_space<vmem>> -> memref<1x128xi32, #tpu.memory_space<vmem>>
    %dma_start3A_24 = tpu.memref_squeeze %dma_start3A_23 : memref<1x128xi32, #tpu.memory_space<vmem>> -> memref<128xi32, #tpu.memory_space<vmem>>
    %dma_start3A_25 = arith.constant 0 : i32
    %dma_start3A_26 = arith.constant 0 : i32
    %dma_start3A_27 = tpu.memref_slice %arg2[%dma_start3A_25, %dma_start3A_26] : memref<20480x64xf32, #tpu.memory_space<hbm>> -> memref<20480x64xf32, #tpu.memory_space<hbm>>
    tpu.enqueue_indirect_dma source(%dma_start3A_27 : memref<20480x64xf32, #tpu.memory_space<hbm>>) target(%arg9 : memref<128x64xf32, #tpu.memory_space<vmem>>) offsets(%dma_start3A_24 : memref<128xi32, #tpu.memory_space<vmem>>) semaphore(%arg15 : memref<!tpu.dma_semaphore, #tpu.memory_space<semaphore_mem>>)
    %dma_start3A_28 = arith.constant 2 : i32
    %dma_start3A_29 = arith.constant 0 : i32
    %dma_start3A_30 = tpu.memref_slice %arg6[%dma_start3A_28, %dma_start3A_29] : memref<160x128xi32, #tpu.memory_space<vmem>> -> memref<1x128xi32, #tpu.memory_space<vmem>>
    %dma_start3A_31 = tpu.memref_squeeze %dma_start3A_30 : memref<1x128xi32, #tpu.memory_space<vmem>> -> memref<128xi32, #tpu.memory_space<vmem>>
    %dma_start3A_32 = arith.constant 0 : i32
    %dma_start3A_33 = arith.constant 0 : i32
    %dma_start3A_34 = tpu.memref_slice %arg2[%dma_start3A_32, %dma_start3A_33] : memref<20480x64xf32, #tpu.memory_space<hbm>> -> memref<20480x64xf32, #tpu.memory_space<hbm>>
    tpu.enqueue_indirect_dma source(%dma_start3A_34 : memref<20480x64xf32, #tpu.memory_space<hbm>>) target(%arg10 : memref<128x64xf32, #tpu.memory_space<vmem>>) offsets(%dma_start3A_31 : memref<128xi32, #tpu.memory_space<vmem>>) semaphore(%arg16 : memref<!tpu.dma_semaphore, #tpu.memory_space<semaphore_mem>>)
    %dma_start3A_35 = arith.constant 3 : i32
    %dma_start3A_36 = arith.constant 0 : i32
    %dma_start3A_37 = tpu.memref_slice %arg6[%dma_start3A_35, %dma_start3A_36] : memref<160x128xi32, #tpu.memory_space<vmem>> -> memref<1x128xi32, #tpu.memory_space<vmem>>
    %dma_start3A_38 = tpu.memref_squeeze %dma_start3A_37 : memref<1x128xi32, #tpu.memory_space<vmem>> -> memref<128xi32, #tpu.memory_space<vmem>>
    %dma_start3A_39 = arith.constant 0 : i32
    %dma_start3A_40 = arith.constant 0 : i32
    %dma_start3A_41 = tpu.memref_slice %arg2[%dma_start3A_39, %dma_start3A_40] : memref<20480x64xf32, #tpu.memory_space<hbm>> -> memref<20480x64xf32, #tpu.memory_space<hbm>>
    tpu.enqueue_indirect_dma source(%dma_start3A_41 : memref<20480x64xf32, #tpu.memory_space<hbm>>) target(%arg11 : memref<128x64xf32, #tpu.memory_space<vmem>>) offsets(%dma_start3A_38 : memref<128xi32, #tpu.memory_space<vmem>>) semaphore(%arg17 : memref<!tpu.dma_semaphore, #tpu.memory_space<semaphore_mem>>)
    %scan3A_42 = arith.constant 0 : i32
    %scan3A_43 = arith.constant 40 : i32
    %scan3A_44 = arith.addi %scan3A_42, %scan3A_43 : i32
    %scan3A_45 = arith.constant 1 : i32
    scf.for %scan3A_61 = %scan3A_42 to %scan3A_44 step %scan3A_45  : i32 {
      %mul3A_62 = arith.constant 4 : i32
      %mul3A_63 = arith.muli %scan3A_61, %mul3A_62 : i32
      %add3A_64 = arith.constant 0 : i32
      %add3A_65 = arith.addi %add3A_64, %mul3A_63 : i32
      %add3A_66 = arith.constant 0 : i32
      %add3A_67 = arith.addi %add3A_65, %add3A_66 : i32
      %dma_wait3A_68 = arith.constant 0 : i32
      %dma_wait3A_69 = tpu.memref_slice %arg6[%add3A_67, %dma_wait3A_68] : memref<160x128xi32, #tpu.memory_space<vmem>> -> memref<1x128xi32, #tpu.memory_space<vmem>>
      %dma_wait3A_70 = tpu.memref_squeeze %dma_wait3A_69 : memref<1x128xi32, #tpu.memory_space<vmem>> -> memref<128xi32, #tpu.memory_space<vmem>>
      %dma_wait3A_71 = arith.constant 0 : i32
      %dma_wait3A_72 = arith.constant 0 : i32
      %dma_wait3A_73 = tpu.memref_slice %arg2[%dma_wait3A_71, %dma_wait3A_72] : memref<20480x64xf32, #tpu.memory_space<hbm>> -> memref<20480x64xf32, #tpu.memory_space<hbm>>
      tpu.wait_indirect_dma semaphore(%arg14 : memref<!tpu.dma_semaphore, #tpu.memory_space<semaphore_mem>>) src(%dma_wait3A_73 : memref<20480x64xf32, #tpu.memory_space<hbm>>) dst(%arg8 : memref<128x64xf32, #tpu.memory_space<vmem>>)
      %dma_start3A_74 = arith.constant 0 : i32
      %dma_start3A_75 = tpu.memref_slice %arg7[%add3A_67, %dma_start3A_74] : memref<160x128xi32, #tpu.memory_space<vmem>> -> memref<1x128xi32, #tpu.memory_space<vmem>>
      %dma_start3A_76 = tpu.memref_squeeze %dma_start3A_75 : memref<1x128xi32, #tpu.memory_space<vmem>> -> memref<128xi32, #tpu.memory_space<vmem>>
      %dma_start3A_77 = arith.constant 0 : i32
      %dma_start3A_78 = arith.constant 0 : i32
      %dma_start3A_79 = tpu.memref_slice %arg13[%dma_start3A_77, %dma_start3A_78] : memref<10240x64xf32, #tpu.memory_space<vmem_shared>> -> memref<10240x64xf32, #tpu.memory_space<vmem_shared>>
      tpu.enqueue_indirect_dma source(%arg8 : memref<128x64xf32, #tpu.memory_space<vmem>>) target(%dma_start3A_79 : memref<10240x64xf32, #tpu.memory_space<vmem_shared>>) offsets(%dma_start3A_76 : memref<128xi32, #tpu.memory_space<vmem>>) semaphore(%arg18 : memref<!tpu.dma_semaphore, #tpu.memory_space<semaphore_mem>>) {add = true}
      %ge3A = arith.constant 2 : i32
      %ge3A_80 = arith.cmpi sge, %add3A_67, %ge3A : i32
      %convert_element_type3A = arith.extui %ge3A_80 : i1 to i32
      %cond3A = arith.constant 0 : i32
      %cond3A_81 = arith.cmpi ne, %convert_element_type3A, %cond3A : i32
      scf.if %cond3A_81 {
        %dma_wait3A_177 = arith.constant 0 : i32
        %dma_wait3A_178 = tpu.memref_slice %arg7[%add3A_67, %dma_wait3A_177] : memref<160x128xi32, #tpu.memory_space<vmem>> -> memref<1x128xi32, #tpu.memory_space<vmem>>
        %dma_wait3A_179 = tpu.memref_squeeze %dma_wait3A_178 : memref<1x128xi32, #tpu.memory_space<vmem>> -> memref<128xi32, #tpu.memory_space<vmem>>
        %dma_wait3A_180 = arith.constant 0 : i32
        %dma_wait3A_181 = arith.constant 0 : i32
        %dma_wait3A_182 = tpu.memref_slice %arg13[%dma_wait3A_180, %dma_wait3A_181] : memref<10240x64xf32, #tpu.memory_space<vmem_shared>> -> memref<10240x64xf32, #tpu.memory_space<vmem_shared>>
        tpu.wait_indirect_dma semaphore(%arg20 : memref<!tpu.dma_semaphore, #tpu.memory_space<semaphore_mem>>) src(%arg10 : memref<128x64xf32, #tpu.memory_space<vmem>>) dst(%dma_wait3A_182 : memref<10240x64xf32, #tpu.memory_space<vmem_shared>>)
      } else {
      }
      %ge3A_82 = arith.constant 2 : i32
      %ge3A_83 = arith.cmpi sge, %add3A_67, %ge3A_82 : i32
      %add3A_84 = arith.constant 2 : i32
      %add3A_85 = arith.addi %add3A_67, %add3A_84 : i32
      %lt3A = arith.constant 160 : i32
      %lt3A_86 = arith.cmpi slt, %add3A_85, %lt3A : i32
      %and3A = arith.andi %ge3A_83, %lt3A_86 : i1
      %convert_element_type3A_87 = arith.extui %and3A : i1 to i32
      %cond3A_88 = arith.constant 0 : i32
      %cond3A_89 = arith.cmpi ne, %convert_element_type3A_87, %cond3A_88 : i32
      scf.if %cond3A_89 {
        %add3A_177 = arith.constant 2 : i32
        %add3A_178 = arith.addi %add3A_67, %add3A_177 : i32
        %dma_start3A_179 = arith.constant 0 : i32
        %dma_start3A_180 = tpu.memref_slice %arg6[%add3A_178, %dma_start3A_179] : memref<160x128xi32, #tpu.memory_space<vmem>> -> memref<1x128xi32, #tpu.memory_space<vmem>>
        %dma_start3A_181 = tpu.memref_squeeze %dma_start3A_180 : memref<1x128xi32, #tpu.memory_space<vmem>> -> memref<128xi32, #tpu.memory_space<vmem>>
        %dma_start3A_182 = arith.constant 0 : i32
        %dma_start3A_183 = arith.constant 0 : i32
        %dma_start3A_184 = tpu.memref_slice %arg2[%dma_start3A_182, %dma_start3A_183] : memref<20480x64xf32, #tpu.memory_space<hbm>> -> memref<20480x64xf32, #tpu.memory_space<hbm>>
        tpu.enqueue_indirect_dma source(%dma_start3A_184 : memref<20480x64xf32, #tpu.memory_space<hbm>>) target(%arg10 : memref<128x64xf32, #tpu.memory_space<vmem>>) offsets(%dma_start3A_181 : memref<128xi32, #tpu.memory_space<vmem>>) semaphore(%arg16 : memref<!tpu.dma_semaphore, #tpu.memory_space<semaphore_mem>>)
      } else {
      }
      %add3A_90 = arith.constant 1 : i32
      %add3A_91 = arith.addi %add3A_65, %add3A_90 : i32
      %dma_wait3A_92 = arith.constant 0 : i32
      %dma_wait3A_93 = tpu.memref_slice %arg6[%add3A_91, %dma_wait3A_92] : memref<160x128xi32, #tpu.memory_space<vmem>> -> memref<1x128xi32, #tpu.memory_space<vmem>>
      %dma_wait3A_94 = tpu.memref_squeeze %dma_wait3A_93 : memref<1x128xi32, #tpu.memory_space<vmem>> -> memref<128xi32, #tpu.memory_space<vmem>>
      %dma_wait3A_95 = arith.constant 0 : i32
      %dma_wait3A_96 = arith.constant 0 : i32
      %dma_wait3A_97 = tpu.memref_slice %arg2[%dma_wait3A_95, %dma_wait3A_96] : memref<20480x64xf32, #tpu.memory_space<hbm>> -> memref<20480x64xf32, #tpu.memory_space<hbm>>
      tpu.wait_indirect_dma semaphore(%arg15 : memref<!tpu.dma_semaphore, #tpu.memory_space<semaphore_mem>>) src(%dma_wait3A_97 : memref<20480x64xf32, #tpu.memory_space<hbm>>) dst(%arg9 : memref<128x64xf32, #tpu.memory_space<vmem>>)
      %dma_start3A_98 = arith.constant 0 : i32
      %dma_start3A_99 = tpu.memref_slice %arg7[%add3A_91, %dma_start3A_98] : memref<160x128xi32, #tpu.memory_space<vmem>> -> memref<1x128xi32, #tpu.memory_space<vmem>>
      %dma_start3A_100 = tpu.memref_squeeze %dma_start3A_99 : memref<1x128xi32, #tpu.memory_space<vmem>> -> memref<128xi32, #tpu.memory_space<vmem>>
      %dma_start3A_101 = arith.constant 0 : i32
      %dma_start3A_102 = arith.constant 0 : i32
      %dma_start3A_103 = tpu.memref_slice %arg13[%dma_start3A_101, %dma_start3A_102] : memref<10240x64xf32, #tpu.memory_space<vmem_shared>> -> memref<10240x64xf32, #tpu.memory_space<vmem_shared>>
      tpu.enqueue_indirect_dma source(%arg9 : memref<128x64xf32, #tpu.memory_space<vmem>>) target(%dma_start3A_103 : memref<10240x64xf32, #tpu.memory_space<vmem_shared>>) offsets(%dma_start3A_100 : memref<128xi32, #tpu.memory_space<vmem>>) semaphore(%arg19 : memref<!tpu.dma_semaphore, #tpu.memory_space<semaphore_mem>>) {add = true}
      %ge3A_104 = arith.constant 2 : i32
      %ge3A_105 = arith.cmpi sge, %add3A_91, %ge3A_104 : i32
      %convert_element_type3A_106 = arith.extui %ge3A_105 : i1 to i32
      %cond3A_107 = arith.constant 0 : i32
      %cond3A_108 = arith.cmpi ne, %convert_element_type3A_106, %cond3A_107 : i32
      scf.if %cond3A_108 {
        %dma_wait3A_177 = arith.constant 0 : i32
        %dma_wait3A_178 = tpu.memref_slice %arg7[%add3A_91, %dma_wait3A_177] : memref<160x128xi32, #tpu.memory_space<vmem>> -> memref<1x128xi32, #tpu.memory_space<vmem>>
        %dma_wait3A_179 = tpu.memref_squeeze %dma_wait3A_178 : memref<1x128xi32, #tpu.memory_space<vmem>> -> memref<128xi32, #tpu.memory_space<vmem>>
        %dma_wait3A_180 = arith.constant 0 : i32
        %dma_wait3A_181 = arith.constant 0 : i32
        %dma_wait3A_182 = tpu.memref_slice %arg13[%dma_wait3A_180, %dma_wait3A_181] : memref<10240x64xf32, #tpu.memory_space<vmem_shared>> -> memref<10240x64xf32, #tpu.memory_space<vmem_shared>>
        tpu.wait_indirect_dma semaphore(%arg21 : memref<!tpu.dma_semaphore, #tpu.memory_space<semaphore_mem>>) src(%arg11 : memref<128x64xf32, #tpu.memory_space<vmem>>) dst(%dma_wait3A_182 : memref<10240x64xf32, #tpu.memory_space<vmem_shared>>)
      } else {
      }
      %ge3A_109 = arith.constant 2 : i32
      %ge3A_110 = arith.cmpi sge, %add3A_91, %ge3A_109 : i32
      %add3A_111 = arith.constant 2 : i32
      %add3A_112 = arith.addi %add3A_91, %add3A_111 : i32
      %lt3A_113 = arith.constant 160 : i32
      %lt3A_114 = arith.cmpi slt, %add3A_112, %lt3A_113 : i32
      %and3A_115 = arith.andi %ge3A_110, %lt3A_114 : i1
      %convert_element_type3A_116 = arith.extui %and3A_115 : i1 to i32
      %cond3A_117 = arith.constant 0 : i32
      %cond3A_118 = arith.cmpi ne, %convert_element_type3A_116, %cond3A_117 : i32
      scf.if %cond3A_118 {
        %add3A_177 = arith.constant 2 : i32
        %add3A_178 = arith.addi %add3A_91, %add3A_177 : i32
        %dma_start3A_179 = arith.constant 0 : i32
        %dma_start3A_180 = tpu.memref_slice %arg6[%add3A_178, %dma_start3A_179] : memref<160x128xi32, #tpu.memory_space<vmem>> -> memref<1x128xi32, #tpu.memory_space<vmem>>
        %dma_start3A_181 = tpu.memref_squeeze %dma_start3A_180 : memref<1x128xi32, #tpu.memory_space<vmem>> -> memref<128xi32, #tpu.memory_space<vmem>>
        %dma_start3A_182 = arith.constant 0 : i32
        %dma_start3A_183 = arith.constant 0 : i32
        %dma_start3A_184 = tpu.memref_slice %arg2[%dma_start3A_182, %dma_start3A_183] : memref<20480x64xf32, #tpu.memory_space<hbm>> -> memref<20480x64xf32, #tpu.memory_space<hbm>>
        tpu.enqueue_indirect_dma source(%dma_start3A_184 : memref<20480x64xf32, #tpu.memory_space<hbm>>) target(%arg11 : memref<128x64xf32, #tpu.memory_space<vmem>>) offsets(%dma_start3A_181 : memref<128xi32, #tpu.memory_space<vmem>>) semaphore(%arg17 : memref<!tpu.dma_semaphore, #tpu.memory_space<semaphore_mem>>)
      } else {
      }
      %add3A_119 = arith.constant 2 : i32
      %add3A_120 = arith.addi %add3A_65, %add3A_119 : i32
      %dma_wait3A_121 = arith.constant 0 : i32
      %dma_wait3A_122 = tpu.memref_slice %arg6[%add3A_120, %dma_wait3A_121] : memref<160x128xi32, #tpu.memory_space<vmem>> -> memref<1x128xi32, #tpu.memory_space<vmem>>
      %dma_wait3A_123 = tpu.memref_squeeze %dma_wait3A_122 : memref<1x128xi32, #tpu.memory_space<vmem>> -> memref<128xi32, #tpu.memory_space<vmem>>
      %dma_wait3A_124 = arith.constant 0 : i32
      %dma_wait3A_125 = arith.constant 0 : i32
      %dma_wait3A_126 = tpu.memref_slice %arg2[%dma_wait3A_124, %dma_wait3A_125] : memref<20480x64xf32, #tpu.memory_space<hbm>> -> memref<20480x64xf32, #tpu.memory_space<hbm>>
      tpu.wait_indirect_dma semaphore(%arg16 : memref<!tpu.dma_semaphore, #tpu.memory_space<semaphore_mem>>) src(%dma_wait3A_126 : memref<20480x64xf32, #tpu.memory_space<hbm>>) dst(%arg10 : memref<128x64xf32, #tpu.memory_space<vmem>>)
      %dma_start3A_127 = arith.constant 0 : i32
      %dma_start3A_128 = tpu.memref_slice %arg7[%add3A_120, %dma_start3A_127] : memref<160x128xi32, #tpu.memory_space<vmem>> -> memref<1x128xi32, #tpu.memory_space<vmem>>
      %dma_start3A_129 = tpu.memref_squeeze %dma_start3A_128 : memref<1x128xi32, #tpu.memory_space<vmem>> -> memref<128xi32, #tpu.memory_space<vmem>>
      %dma_start3A_130 = arith.constant 0 : i32
      %dma_start3A_131 = arith.constant 0 : i32
      %dma_start3A_132 = tpu.memref_slice %arg13[%dma_start3A_130, %dma_start3A_131] : memref<10240x64xf32, #tpu.memory_space<vmem_shared>> -> memref<10240x64xf32, #tpu.memory_space<vmem_shared>>
      tpu.enqueue_indirect_dma source(%arg10 : memref<128x64xf32, #tpu.memory_space<vmem>>) target(%dma_start3A_132 : memref<10240x64xf32, #tpu.memory_space<vmem_shared>>) offsets(%dma_start3A_129 : memref<128xi32, #tpu.memory_space<vmem>>) semaphore(%arg20 : memref<!tpu.dma_semaphore, #tpu.memory_space<semaphore_mem>>) {add = true}
      %ge3A_133 = arith.constant 2 : i32
      %ge3A_134 = arith.cmpi sge, %add3A_120, %ge3A_133 : i32
      %convert_element_type3A_135 = arith.extui %ge3A_134 : i1 to i32
      %cond3A_136 = arith.constant 0 : i32
      %cond3A_137 = arith.cmpi ne, %convert_element_type3A_135, %cond3A_136 : i32
      scf.if %cond3A_137 {
        %dma_wait3A_177 = arith.constant 0 : i32
        %dma_wait3A_178 = tpu.memref_slice %arg7[%add3A_120, %dma_wait3A_177] : memref<160x128xi32, #tpu.memory_space<vmem>> -> memref<1x128xi32, #tpu.memory_space<vmem>>
        %dma_wait3A_179 = tpu.memref_squeeze %dma_wait3A_178 : memref<1x128xi32, #tpu.memory_space<vmem>> -> memref<128xi32, #tpu.memory_space<vmem>>
        %dma_wait3A_180 = arith.constant 0 : i32
        %dma_wait3A_181 = arith.constant 0 : i32
        %dma_wait3A_182 = tpu.memref_slice %arg13[%dma_wait3A_180, %dma_wait3A_181] : memref<10240x64xf32, #tpu.memory_space<vmem_shared>> -> memref<10240x64xf32, #tpu.memory_space<vmem_shared>>
        tpu.wait_indirect_dma semaphore(%arg18 : memref<!tpu.dma_semaphore, #tpu.memory_space<semaphore_mem>>) src(%arg8 : memref<128x64xf32, #tpu.memory_space<vmem>>) dst(%dma_wait3A_182 : memref<10240x64xf32, #tpu.memory_space<vmem_shared>>)
      } else {
      }
      %ge3A_138 = arith.constant 2 : i32
      %ge3A_139 = arith.cmpi sge, %add3A_120, %ge3A_138 : i32
      %add3A_140 = arith.constant 2 : i32
      %add3A_141 = arith.addi %add3A_120, %add3A_140 : i32
      %lt3A_142 = arith.constant 160 : i32
      %lt3A_143 = arith.cmpi slt, %add3A_141, %lt3A_142 : i32
      %and3A_144 = arith.andi %ge3A_139, %lt3A_143 : i1
      %convert_element_type3A_145 = arith.extui %and3A_144 : i1 to i32
      %cond3A_146 = arith.constant 0 : i32
      %cond3A_147 = arith.cmpi ne, %convert_element_type3A_145, %cond3A_146 : i32
      scf.if %cond3A_147 {
        %add3A_177 = arith.constant 2 : i32
        %add3A_178 = arith.addi %add3A_120, %add3A_177 : i32
        %dma_start3A_179 = arith.constant 0 : i32
        %dma_start3A_180 = tpu.memref_slice %arg6[%add3A_178, %dma_start3A_179] : memref<160x128xi32, #tpu.memory_space<vmem>> -> memref<1x128xi32, #tpu.memory_space<vmem>>
        %dma_start3A_181 = tpu.memref_squeeze %dma_start3A_180 : memref<1x128xi32, #tpu.memory_space<vmem>> -> memref<128xi32, #tpu.memory_space<vmem>>
        %dma_start3A_182 = arith.constant 0 : i32
        %dma_start3A_183 = arith.constant 0 : i32
        %dma_start3A_184 = tpu.memref_slice %arg2[%dma_start3A_182, %dma_start3A_183] : memref<20480x64xf32, #tpu.memory_space<hbm>> -> memref<20480x64xf32, #tpu.memory_space<hbm>>
        tpu.enqueue_indirect_dma source(%dma_start3A_184 : memref<20480x64xf32, #tpu.memory_space<hbm>>) target(%arg8 : memref<128x64xf32, #tpu.memory_space<vmem>>) offsets(%dma_start3A_181 : memref<128xi32, #tpu.memory_space<vmem>>) semaphore(%arg14 : memref<!tpu.dma_semaphore, #tpu.memory_space<semaphore_mem>>)
      } else {
      }
      %add3A_148 = arith.constant 3 : i32
      %add3A_149 = arith.addi %add3A_65, %add3A_148 : i32
      %dma_wait3A_150 = arith.constant 0 : i32
      %dma_wait3A_151 = tpu.memref_slice %arg6[%add3A_149, %dma_wait3A_150] : memref<160x128xi32, #tpu.memory_space<vmem>> -> memref<1x128xi32, #tpu.memory_space<vmem>>
      %dma_wait3A_152 = tpu.memref_squeeze %dma_wait3A_151 : memref<1x128xi32, #tpu.memory_space<vmem>> -> memref<128xi32, #tpu.memory_space<vmem>>
      %dma_wait3A_153 = arith.constant 0 : i32
      %dma_wait3A_154 = arith.constant 0 : i32
      %dma_wait3A_155 = tpu.memref_slice %arg2[%dma_wait3A_153, %dma_wait3A_154] : memref<20480x64xf32, #tpu.memory_space<hbm>> -> memref<20480x64xf32, #tpu.memory_space<hbm>>
      tpu.wait_indirect_dma semaphore(%arg17 : memref<!tpu.dma_semaphore, #tpu.memory_space<semaphore_mem>>) src(%dma_wait3A_155 : memref<20480x64xf32, #tpu.memory_space<hbm>>) dst(%arg11 : memref<128x64xf32, #tpu.memory_space<vmem>>)
      %dma_start3A_156 = arith.constant 0 : i32
      %dma_start3A_157 = tpu.memref_slice %arg7[%add3A_149, %dma_start3A_156] : memref<160x128xi32, #tpu.memory_space<vmem>> -> memref<1x128xi32, #tpu.memory_space<vmem>>
      %dma_start3A_158 = tpu.memref_squeeze %dma_start3A_157 : memref<1x128xi32, #tpu.memory_space<vmem>> -> memref<128xi32, #tpu.memory_space<vmem>>
      %dma_start3A_159 = arith.constant 0 : i32
      %dma_start3A_160 = arith.constant 0 : i32
      %dma_start3A_161 = tpu.memref_slice %arg13[%dma_start3A_159, %dma_start3A_160] : memref<10240x64xf32, #tpu.memory_space<vmem_shared>> -> memref<10240x64xf32, #tpu.memory_space<vmem_shared>>
      tpu.enqueue_indirect_dma source(%arg11 : memref<128x64xf32, #tpu.memory_space<vmem>>) target(%dma_start3A_161 : memref<10240x64xf32, #tpu.memory_space<vmem_shared>>) offsets(%dma_start3A_158 : memref<128xi32, #tpu.memory_space<vmem>>) semaphore(%arg21 : memref<!tpu.dma_semaphore, #tpu.memory_space<semaphore_mem>>) {add = true}
      %ge3A_162 = arith.constant 2 : i32
      %ge3A_163 = arith.cmpi sge, %add3A_149, %ge3A_162 : i32
      %convert_element_type3A_164 = arith.extui %ge3A_163 : i1 to i32
      %cond3A_165 = arith.constant 0 : i32
      %cond3A_166 = arith.cmpi ne, %convert_element_type3A_164, %cond3A_165 : i32
      scf.if %cond3A_166 {
        %dma_wait3A_177 = arith.constant 0 : i32
        %dma_wait3A_178 = tpu.memref_slice %arg7[%add3A_149, %dma_wait3A_177] : memref<160x128xi32, #tpu.memory_space<vmem>> -> memref<1x128xi32, #tpu.memory_space<vmem>>
        %dma_wait3A_179 = tpu.memref_squeeze %dma_wait3A_178 : memref<1x128xi32, #tpu.memory_space<vmem>> -> memref<128xi32, #tpu.memory_space<vmem>>
        %dma_wait3A_180 = arith.constant 0 : i32
        %dma_wait3A_181 = arith.constant 0 : i32
        %dma_wait3A_182 = tpu.memref_slice %arg13[%dma_wait3A_180, %dma_wait3A_181] : memref<10240x64xf32, #tpu.memory_space<vmem_shared>> -> memref<10240x64xf32, #tpu.memory_space<vmem_shared>>
        tpu.wait_indirect_dma semaphore(%arg19 : memref<!tpu.dma_semaphore, #tpu.memory_space<semaphore_mem>>) src(%arg9 : memref<128x64xf32, #tpu.memory_space<vmem>>) dst(%dma_wait3A_182 : memref<10240x64xf32, #tpu.memory_space<vmem_shared>>)
      } else {
      }
      %ge3A_167 = arith.constant 2 : i32
      %ge3A_168 = arith.cmpi sge, %add3A_149, %ge3A_167 : i32
      %add3A_169 = arith.constant 2 : i32
      %add3A_170 = arith.addi %add3A_149, %add3A_169 : i32
      %lt3A_171 = arith.constant 160 : i32
      %lt3A_172 = arith.cmpi slt, %add3A_170, %lt3A_171 : i32
      %and3A_173 = arith.andi %ge3A_168, %lt3A_172 : i1
      %convert_element_type3A_174 = arith.extui %and3A_173 : i1 to i32
      %cond3A_175 = arith.constant 0 : i32
      %cond3A_176 = arith.cmpi ne, %convert_element_type3A_174, %cond3A_175 : i32
      scf.if %cond3A_176 {
        %add3A_177 = arith.constant 2 : i32
        %add3A_178 = arith.addi %add3A_149, %add3A_177 : i32
        %dma_start3A_179 = arith.constant 0 : i32
        %dma_start3A_180 = tpu.memref_slice %arg6[%add3A_178, %dma_start3A_179] : memref<160x128xi32, #tpu.memory_space<vmem>> -> memref<1x128xi32, #tpu.memory_space<vmem>>
        %dma_start3A_181 = tpu.memref_squeeze %dma_start3A_180 : memref<1x128xi32, #tpu.memory_space<vmem>> -> memref<128xi32, #tpu.memory_space<vmem>>
        %dma_start3A_182 = arith.constant 0 : i32
        %dma_start3A_183 = arith.constant 0 : i32
        %dma_start3A_184 = tpu.memref_slice %arg2[%dma_start3A_182, %dma_start3A_183] : memref<20480x64xf32, #tpu.memory_space<hbm>> -> memref<20480x64xf32, #tpu.memory_space<hbm>>
        tpu.enqueue_indirect_dma source(%dma_start3A_184 : memref<20480x64xf32, #tpu.memory_space<hbm>>) target(%arg9 : memref<128x64xf32, #tpu.memory_space<vmem>>) offsets(%dma_start3A_181 : memref<128xi32, #tpu.memory_space<vmem>>) semaphore(%arg15 : memref<!tpu.dma_semaphore, #tpu.memory_space<semaphore_mem>>)
      } else {
      }
    }
    %scan3A_46 = arith.constant 40 : i32
    %dma_wait3A = arith.constant 0 : i32
    %dma_wait3A_47 = arith.constant 0 : i32
    %dma_wait3A_48 = tpu.memref_slice %arg7[%dma_wait3A, %dma_wait3A_47] : memref<160x128xi32, #tpu.memory_space<vmem>> -> memref<1x128xi32, #tpu.memory_space<vmem>>
    %dma_wait3A_49 = tpu.memref_squeeze %dma_wait3A_48 : memref<1x128xi32, #tpu.memory_space<vmem>> -> memref<128xi32, #tpu.memory_space<vmem>>
    %dma_wait3A_50 = arith.constant 0 : i32
    %dma_wait3A_51 = arith.constant 0 : i32
    %dma_wait3A_52 = tpu.memref_slice %arg13[%dma_wait3A_50, %dma_wait3A_51] : memref<10240x64xf32, #tpu.memory_space<vmem_shared>> -> memref<10240x64xf32, #tpu.memory_space<vmem_shared>>
    tpu.wait_indirect_dma semaphore(%arg20 : memref<!tpu.dma_semaphore, #tpu.memory_space<semaphore_mem>>) src(%arg10 : memref<128x64xf32, #tpu.memory_space<vmem>>) dst(%dma_wait3A_52 : memref<10240x64xf32, #tpu.memory_space<vmem_shared>>)
    %dma_wait3A_53 = arith.constant 0 : i32
    %dma_wait3A_54 = arith.constant 0 : i32
    %dma_wait3A_55 = tpu.memref_slice %arg7[%dma_wait3A_53, %dma_wait3A_54] : memref<160x128xi32, #tpu.memory_space<vmem>> -> memref<1x128xi32, #tpu.memory_space<vmem>>
    %dma_wait3A_56 = tpu.memref_squeeze %dma_wait3A_55 : memref<1x128xi32, #tpu.memory_space<vmem>> -> memref<128xi32, #tpu.memory_space<vmem>>
    %dma_wait3A_57 = arith.constant 0 : i32
    %dma_wait3A_58 = arith.constant 0 : i32
    %dma_wait3A_59 = tpu.memref_slice %arg13[%dma_wait3A_57, %dma_wait3A_58] : memref<10240x64xf32, #tpu.memory_space<vmem_shared>> -> memref<10240x64xf32, #tpu.memory_space<vmem_shared>>
    tpu.wait_indirect_dma semaphore(%arg21 : memref<!tpu.dma_semaphore, #tpu.memory_space<semaphore_mem>>) src(%arg11 : memref<128x64xf32, #tpu.memory_space<vmem>>) dst(%dma_wait3A_59 : memref<10240x64xf32, #tpu.memory_space<vmem_shared>>)
    %barrier3A_60 = arith.constant 0 : index
    tpu.barrier barrier_id(%barrier3A_60)
    "tpu.region"() ({
      %run_scoped3A = tpu.sem_alloc : memref<!tpu.dma_semaphore, #tpu.memory_space<semaphore_mem>>
      %dma_start3A_61 = arith.constant 0 : i32
      %dma_start3A_62 = tpu.memref_slice %arg5[%arg0, %mul3A_5, %dma_start3A_61] : memref<2x10240x64xf32, #tpu.memory_space<hbm>> -> memref<1x640x64xf32, #tpu.memory_space<hbm>>
      %dma_start3A_63 = tpu.memref_squeeze %dma_start3A_62 : memref<1x640x64xf32, #tpu.memory_space<hbm>> -> memref<640x64xf32, #tpu.memory_space<hbm>>
      %dma_start3A_64 = arith.constant 0 : i32
      %dma_start3A_65 = tpu.memref_slice %arg13[%mul3A_5, %dma_start3A_64] : memref<10240x64xf32, #tpu.memory_space<vmem_shared>> -> memref<640x64xf32, #tpu.memory_space<vmem_shared>>
      tpu.enqueue_dma source(%dma_start3A_65 : memref<640x64xf32, #tpu.memory_space<vmem_shared>>) target(%dma_start3A_63 : memref<640x64xf32, #tpu.memory_space<hbm>>) target_semaphore(%run_scoped3A : memref<!tpu.dma_semaphore, #tpu.memory_space<semaphore_mem>>)
      %dma_wait3A_66 = arith.constant 0 : i32
      %dma_wait3A_67 = tpu.memref_slice %arg5[%arg0, %mul3A_5, %dma_wait3A_66] : memref<2x10240x64xf32, #tpu.memory_space<hbm>> -> memref<1x640x64xf32, #tpu.memory_space<hbm>>
      %dma_wait3A_68 = tpu.memref_squeeze %dma_wait3A_67 : memref<1x640x64xf32, #tpu.memory_space<hbm>> -> memref<640x64xf32, #tpu.memory_space<hbm>>
      %dma_wait3A_69 = arith.constant 0 : i32
      %dma_wait3A_70 = tpu.memref_slice %arg13[%mul3A_5, %dma_wait3A_69] : memref<10240x64xf32, #tpu.memory_space<vmem_shared>> -> memref<640x64xf32, #tpu.memory_space<vmem_shared>>
      tpu.wait_dma2 semaphore(%run_scoped3A : memref<!tpu.dma_semaphore, #tpu.memory_space<semaphore_mem>>) src(%dma_wait3A_70 : memref<640x64xf32, #tpu.memory_space<vmem_shared>>) dst(%dma_wait3A_68 : memref<640x64xf32, #tpu.memory_space<hbm>>)
      tpu.yield
    }) : () -> ()
    return
  }
}

#map = affine_map<(d0, d1) -> (0, 0)>
#map1 = affine_map<(d0, d1) -> (0, 0, 0, 0)>
#map2 = affine_map<(d0, d1) -> (0, 0, 0)>
module attributes {stable_mosaic.version = 14 : i64} {
  func.func @body(%arg0: i32, %arg1: i32, %arg2: memref<20480x64xf32, #tpu.memory_space<hbm>>, %arg3: memref<2x16x160x128xi32, #tpu.memory_space<hbm>>, %arg4: memref<16x160x128xi32, #tpu.memory_space<hbm>>, %arg5: memref<2x10240x64xf32, #tpu.memory_space<hbm>>, %arg6: memref<2x10240xf32, #tpu.memory_space<hbm>>, %arg7: memref<160x128xi32, #tpu.memory_space<vmem>>, %arg8: memref<160x128xi32, #tpu.memory_space<vmem>>, %arg9: memref<128x64xf32, #tpu.memory_space<vmem>>, %arg10: memref<128x64xf32, #tpu.memory_space<vmem>>, %arg11: memref<128x64xf32, #tpu.memory_space<vmem>>, %arg12: memref<128x64xf32, #tpu.memory_space<vmem>>, %arg13: memref<128x64xf32, #tpu.memory_space<vmem>>, %arg14: memref<10240x64xf32, #tpu.memory_space<vmem_shared>>, %arg15: memref<!tpu.dma_semaphore, #tpu.memory_space<semaphore_mem>>, %arg16: memref<!tpu.dma_semaphore, #tpu.memory_space<semaphore_mem>>, %arg17: memref<!tpu.dma_semaphore, #tpu.memory_space<semaphore_mem>>, %arg18: memref<!tpu.dma_semaphore, #tpu.memory_space<semaphore_mem>>, %arg19: memref<!tpu.dma_semaphore, #tpu.memory_space<semaphore_mem>>, %arg20: memref<!tpu.dma_semaphore, #tpu.memory_space<semaphore_mem>>, %arg21: memref<!tpu.dma_semaphore, #tpu.memory_space<semaphore_mem>>, %arg22: memref<!tpu.dma_semaphore, #tpu.memory_space<semaphore_mem>>, %arg23: memref<128xf32, #tpu.memory_space<vmem>>, %arg24: memref<640xf32, #tpu.memory_space<vmem>>, %arg25: memref<10240xf32, #tpu.memory_space<vmem_shared>>, %arg26: memref<!tpu.dma_semaphore, #tpu.memory_space<semaphore_mem>>) attributes {dimension_semantics = [#tpu.dimension_semantics<core_parallel>, #tpu.dimension_semantics<subcore_parallel>], iteration_bounds = array<i64: 2, 16>, scalar_prefetch = 0 : i64, scratch_operands = 20 : i64, tpu.core_type = #tpu.core_type<sc_vector_subcore>, window_params = [{transform_indices = #map}, {transform_indices = #map1}, {transform_indices = #map2}, {transform_indices = #map2}, {transform_indices = #map}]} {
    %broadcast_in_dim3A = arith.constant 0.000000e+00 : f32
    %broadcast_in_dim3A_0 = vector.broadcast %broadcast_in_dim3A : f32 to vector<16xf32>
    %scan3A = arith.constant 0 : i32
    %scan3A_1 = arith.constant 128 : i32
    %scan3A_2 = arith.addi %scan3A, %scan3A_1 : i32
    %scan3A_3 = arith.constant 1 : i32
    scf.for %scan3A_76 = %scan3A to %scan3A_2 step %scan3A_3  : i32 {
      %mul3A_77 = arith.constant 1 : i32
      %mul3A_78 = arith.muli %scan3A_76, %mul3A_77 : i32
      %add3A_79 = arith.constant 0 : i32
      %add3A_80 = arith.addi %add3A_79, %mul3A_78 : i32
      %swap3A = arith.index_cast %add3A_80 : i32 to index
      %swap3A_81 = arith.constant 0 : index
      %swap3A_82 = tpu.vector_load %arg13[%swap3A, %swap3A_81] {strides = array<i32>} : memref<128x64xf32, #tpu.memory_space<vmem>>, vector<1x16xf32>,
      %swap3A_83 = vector.shape_cast %swap3A_82 : vector<1x16xf32> to vector<16xf32>
      %swap3A_84 = vector.shape_cast %broadcast_in_dim3A_0 : vector<16xf32> to vector<1x16xf32>
      tpu.vector_store %arg13[%swap3A, %swap3A_81], %swap3A_84 {strides = array<i32>} : memref<128x64xf32, #tpu.memory_space<vmem>>, vector<1x16xf32>,
      %swap3A_85 = arith.index_cast %add3A_80 : i32 to index
      %swap3A_86 = arith.constant 16 : index
      %swap3A_87 = tpu.vector_load %arg13[%swap3A_85, %swap3A_86] {strides = array<i32>} : memref<128x64xf32, #tpu.memory_space<vmem>>, vector<1x16xf32>,
      %swap3A_88 = vector.shape_cast %swap3A_87 : vector<1x16xf32> to vector<16xf32>
      %swap3A_89 = vector.shape_cast %broadcast_in_dim3A_0 : vector<16xf32> to vector<1x16xf32>
      tpu.vector_store %arg13[%swap3A_85, %swap3A_86], %swap3A_89 {strides = array<i32>} : memref<128x64xf32, #tpu.memory_space<vmem>>, vector<1x16xf32>,
      %swap3A_90 = arith.index_cast %add3A_80 : i32 to index
      %swap3A_91 = arith.constant 32 : index
      %swap3A_92 = tpu.vector_load %arg13[%swap3A_90, %swap3A_91] {strides = array<i32>} : memref<128x64xf32, #tpu.memory_space<vmem>>, vector<1x16xf32>,
      %swap3A_93 = vector.shape_cast %swap3A_92 : vector<1x16xf32> to vector<16xf32>
      %swap3A_94 = vector.shape_cast %broadcast_in_dim3A_0 : vector<16xf32> to vector<1x16xf32>
      tpu.vector_store %arg13[%swap3A_90, %swap3A_91], %swap3A_94 {strides = array<i32>} : memref<128x64xf32, #tpu.memory_space<vmem>>, vector<1x16xf32>,
      %swap3A_95 = arith.index_cast %add3A_80 : i32 to index
      %swap3A_96 = arith.constant 48 : index
      %swap3A_97 = tpu.vector_load %arg13[%swap3A_95, %swap3A_96] {strides = array<i32>} : memref<128x64xf32, #tpu.memory_space<vmem>>, vector<1x16xf32>,
      %swap3A_98 = vector.shape_cast %swap3A_97 : vector<1x16xf32> to vector<16xf32>
      %swap3A_99 = vector.shape_cast %broadcast_in_dim3A_0 : vector<16xf32> to vector<1x16xf32>
      tpu.vector_store %arg13[%swap3A_95, %swap3A_96], %swap3A_99 {strides = array<i32>} : memref<128x64xf32, #tpu.memory_space<vmem>>, vector<1x16xf32>,
    }
    %scan3A_4 = arith.constant 128 : i32
    %scan3A_5 = arith.constant 0 : i32
    %scan3A_6 = arith.constant 8 : i32
    %scan3A_7 = arith.addi %scan3A_5, %scan3A_6 : i32
    %scan3A_8 = arith.constant 1 : i32
    scf.for %scan3A_76 = %scan3A_5 to %scan3A_7 step %scan3A_8  : i32 {
      %mul3A_77 = arith.constant 1 : i32
      %mul3A_78 = arith.muli %scan3A_76, %mul3A_77 : i32
      %add3A_79 = arith.constant 0 : i32
      %add3A_80 = arith.addi %add3A_79, %mul3A_78 : i32
      %add3A_81 = arith.constant 1.000000e+00 : f32
      %add3A_82 = vector.broadcast %add3A_81 : f32 to vector<16xf32>
      %add3A_83 = arith.addf %broadcast_in_dim3A_0, %add3A_82 : vector<16xf32>
      %mul3A_84 = arith.constant 16 : i32
      %mul3A_85 = arith.muli %mul3A_84, %add3A_80 : i32
      %swap3A = arith.index_cast %mul3A_85 : i32 to index
      %swap3A_86 = tpu.vector_load %arg23[%swap3A] {strides = array<i32>} : memref<128xf32, #tpu.memory_space<vmem>>, vector<16xf32>,
      %swap3A_87 = vector.shape_cast %swap3A_86 : vector<16xf32> to vector<16xf32>
      %swap3A_88 = vector.shape_cast %add3A_83 : vector<16xf32> to vector<16xf32>
      tpu.vector_store %arg23[%swap3A], %swap3A_88 {strides = array<i32>} : memref<128xf32, #tpu.memory_space<vmem>>, vector<16xf32>,
    }
    %scan3A_9 = arith.constant 8 : i32
    %scan3A_10 = arith.constant 0 : i32
    %scan3A_11 = arith.constant 40 : i32
    %scan3A_12 = arith.addi %scan3A_10, %scan3A_11 : i32
    %scan3A_13 = arith.constant 1 : i32
    scf.for %scan3A_76 = %scan3A_10 to %scan3A_12 step %scan3A_13  : i32 {
      %mul3A_77 = arith.constant 1 : i32
      %mul3A_78 = arith.muli %scan3A_76, %mul3A_77 : i32
      %add3A_79 = arith.constant 0 : i32
      %add3A_80 = arith.addi %add3A_79, %mul3A_78 : i32
      %mul3A_81 = arith.constant 16 : i32
      %mul3A_82 = arith.muli %mul3A_81, %add3A_80 : i32
      %swap3A = arith.index_cast %mul3A_82 : i32 to index
      %swap3A_83 = tpu.vector_load %arg24[%swap3A] {strides = array<i32>} : memref<640xf32, #tpu.memory_space<vmem>>, vector<16xf32>,
      %swap3A_84 = vector.shape_cast %swap3A_83 : vector<16xf32> to vector<16xf32>
      %swap3A_85 = vector.shape_cast %broadcast_in_dim3A_0 : vector<16xf32> to vector<16xf32>
      tpu.vector_store %arg24[%swap3A], %swap3A_85 {strides = array<i32>} : memref<640xf32, #tpu.memory_space<vmem>>, vector<16xf32>,
    }
    %scan3A_14 = arith.constant 40 : i32
    %mul3A = arith.constant 640 : i32
    %mul3A_15 = arith.muli %arg1, %mul3A : i32
    %add3A = arith.constant 0 : i32
    %add3A_16 = arith.addi %mul3A_15, %add3A : i32
    "tpu.region"() ({
      %run_scoped3A = tpu.sem_alloc : memref<!tpu.dma_semaphore, #tpu.memory_space<semaphore_mem>>
      %dma_start3A_76 = arith.constant 0 : i32
      %dma_start3A_77 = tpu.memref_slice %arg14[%add3A_16, %dma_start3A_76] : memref<10240x64xf32, #tpu.memory_space<vmem_shared>> -> memref<128x64xf32, #tpu.memory_space<vmem_shared>>
      %dma_start3A_78 = arith.constant 0 : i32
      %dma_start3A_79 = tpu.memref_slice %arg14[%add3A_16, %dma_start3A_78] : memref<10240x64xf32, #tpu.memory_space<vmem_shared>> -> memref<128x64xf32, #tpu.memory_space<vmem_shared>>
      tpu.enqueue_dma source(%arg13 : memref<128x64xf32, #tpu.memory_space<vmem>>) target(%dma_start3A_79 : memref<128x64xf32, #tpu.memory_space<vmem_shared>>) target_semaphore(%run_scoped3A : memref<!tpu.dma_semaphore, #tpu.memory_space<semaphore_mem>>)
      %dma_wait3A_80 = arith.constant 0 : i32
      %dma_wait3A_81 = tpu.memref_slice %arg14[%add3A_16, %dma_wait3A_80] : memref<10240x64xf32, #tpu.memory_space<vmem_shared>> -> memref<128x64xf32, #tpu.memory_space<vmem_shared>>
      %dma_wait3A_82 = arith.constant 0 : i32
      %dma_wait3A_83 = tpu.memref_slice %arg14[%add3A_16, %dma_wait3A_82] : memref<10240x64xf32, #tpu.memory_space<vmem_shared>> -> memref<128x64xf32, #tpu.memory_space<vmem_shared>>
      tpu.wait_dma2 semaphore(%run_scoped3A : memref<!tpu.dma_semaphore, #tpu.memory_space<semaphore_mem>>) src(%arg13 : memref<128x64xf32, #tpu.memory_space<vmem>>) dst(%dma_wait3A_83 : memref<128x64xf32, #tpu.memory_space<vmem_shared>>)
      tpu.yield
    }) : () -> ()
    %add3A_17 = arith.constant 128 : i32
    %add3A_18 = arith.addi %mul3A_15, %add3A_17 : i32
    "tpu.region"() ({
      %run_scoped3A = tpu.sem_alloc : memref<!tpu.dma_semaphore, #tpu.memory_space<semaphore_mem>>
      %dma_start3A_76 = arith.constant 0 : i32
      %dma_start3A_77 = tpu.memref_slice %arg14[%add3A_18, %dma_start3A_76] : memref<10240x64xf32, #tpu.memory_space<vmem_shared>> -> memref<128x64xf32, #tpu.memory_space<vmem_shared>>
      %dma_start3A_78 = arith.constant 0 : i32
      %dma_start3A_79 = tpu.memref_slice %arg14[%add3A_18, %dma_start3A_78] : memref<10240x64xf32, #tpu.memory_space<vmem_shared>> -> memref<128x64xf32, #tpu.memory_space<vmem_shared>>
      tpu.enqueue_dma source(%arg13 : memref<128x64xf32, #tpu.memory_space<vmem>>) target(%dma_start3A_79 : memref<128x64xf32, #tpu.memory_space<vmem_shared>>) target_semaphore(%run_scoped3A : memref<!tpu.dma_semaphore, #tpu.memory_space<semaphore_mem>>)
      %dma_wait3A_80 = arith.constant 0 : i32
      %dma_wait3A_81 = tpu.memref_slice %arg14[%add3A_18, %dma_wait3A_80] : memref<10240x64xf32, #tpu.memory_space<vmem_shared>> -> memref<128x64xf32, #tpu.memory_space<vmem_shared>>
      %dma_wait3A_82 = arith.constant 0 : i32
      %dma_wait3A_83 = tpu.memref_slice %arg14[%add3A_18, %dma_wait3A_82] : memref<10240x64xf32, #tpu.memory_space<vmem_shared>> -> memref<128x64xf32, #tpu.memory_space<vmem_shared>>
      tpu.wait_dma2 semaphore(%run_scoped3A : memref<!tpu.dma_semaphore, #tpu.memory_space<semaphore_mem>>) src(%arg13 : memref<128x64xf32, #tpu.memory_space<vmem>>) dst(%dma_wait3A_83 : memref<128x64xf32, #tpu.memory_space<vmem_shared>>)
      tpu.yield
    }) : () -> ()
    %add3A_19 = arith.constant 256 : i32
    %add3A_20 = arith.addi %mul3A_15, %add3A_19 : i32
    "tpu.region"() ({
      %run_scoped3A = tpu.sem_alloc : memref<!tpu.dma_semaphore, #tpu.memory_space<semaphore_mem>>
      %dma_start3A_76 = arith.constant 0 : i32
      %dma_start3A_77 = tpu.memref_slice %arg14[%add3A_20, %dma_start3A_76] : memref<10240x64xf32, #tpu.memory_space<vmem_shared>> -> memref<128x64xf32, #tpu.memory_space<vmem_shared>>
      %dma_start3A_78 = arith.constant 0 : i32
      %dma_start3A_79 = tpu.memref_slice %arg14[%add3A_20, %dma_start3A_78] : memref<10240x64xf32, #tpu.memory_space<vmem_shared>> -> memref<128x64xf32, #tpu.memory_space<vmem_shared>>
      tpu.enqueue_dma source(%arg13 : memref<128x64xf32, #tpu.memory_space<vmem>>) target(%dma_start3A_79 : memref<128x64xf32, #tpu.memory_space<vmem_shared>>) target_semaphore(%run_scoped3A : memref<!tpu.dma_semaphore, #tpu.memory_space<semaphore_mem>>)
      %dma_wait3A_80 = arith.constant 0 : i32
      %dma_wait3A_81 = tpu.memref_slice %arg14[%add3A_20, %dma_wait3A_80] : memref<10240x64xf32, #tpu.memory_space<vmem_shared>> -> memref<128x64xf32, #tpu.memory_space<vmem_shared>>
      %dma_wait3A_82 = arith.constant 0 : i32
      %dma_wait3A_83 = tpu.memref_slice %arg14[%add3A_20, %dma_wait3A_82] : memref<10240x64xf32, #tpu.memory_space<vmem_shared>> -> memref<128x64xf32, #tpu.memory_space<vmem_shared>>
      tpu.wait_dma2 semaphore(%run_scoped3A : memref<!tpu.dma_semaphore, #tpu.memory_space<semaphore_mem>>) src(%arg13 : memref<128x64xf32, #tpu.memory_space<vmem>>) dst(%dma_wait3A_83 : memref<128x64xf32, #tpu.memory_space<vmem_shared>>)
      tpu.yield
    }) : () -> ()
    %add3A_21 = arith.constant 384 : i32
    %add3A_22 = arith.addi %mul3A_15, %add3A_21 : i32
    "tpu.region"() ({
      %run_scoped3A = tpu.sem_alloc : memref<!tpu.dma_semaphore, #tpu.memory_space<semaphore_mem>>
      %dma_start3A_76 = arith.constant 0 : i32
      %dma_start3A_77 = tpu.memref_slice %arg14[%add3A_22, %dma_start3A_76] : memref<10240x64xf32, #tpu.memory_space<vmem_shared>> -> memref<128x64xf32, #tpu.memory_space<vmem_shared>>
      %dma_start3A_78 = arith.constant 0 : i32
      %dma_start3A_79 = tpu.memref_slice %arg14[%add3A_22, %dma_start3A_78] : memref<10240x64xf32, #tpu.memory_space<vmem_shared>> -> memref<128x64xf32, #tpu.memory_space<vmem_shared>>
      tpu.enqueue_dma source(%arg13 : memref<128x64xf32, #tpu.memory_space<vmem>>) target(%dma_start3A_79 : memref<128x64xf32, #tpu.memory_space<vmem_shared>>) target_semaphore(%run_scoped3A : memref<!tpu.dma_semaphore, #tpu.memory_space<semaphore_mem>>)
      %dma_wait3A_80 = arith.constant 0 : i32
      %dma_wait3A_81 = tpu.memref_slice %arg14[%add3A_22, %dma_wait3A_80] : memref<10240x64xf32, #tpu.memory_space<vmem_shared>> -> memref<128x64xf32, #tpu.memory_space<vmem_shared>>
      %dma_wait3A_82 = arith.constant 0 : i32
      %dma_wait3A_83 = tpu.memref_slice %arg14[%add3A_22, %dma_wait3A_82] : memref<10240x64xf32, #tpu.memory_space<vmem_shared>> -> memref<128x64xf32, #tpu.memory_space<vmem_shared>>
      tpu.wait_dma2 semaphore(%run_scoped3A : memref<!tpu.dma_semaphore, #tpu.memory_space<semaphore_mem>>) src(%arg13 : memref<128x64xf32, #tpu.memory_space<vmem>>) dst(%dma_wait3A_83 : memref<128x64xf32, #tpu.memory_space<vmem_shared>>)
      tpu.yield
    }) : () -> ()
    %add3A_23 = arith.constant 512 : i32
    %add3A_24 = arith.addi %mul3A_15, %add3A_23 : i32
    "tpu.region"() ({
      %run_scoped3A = tpu.sem_alloc : memref<!tpu.dma_semaphore, #tpu.memory_space<semaphore_mem>>
      %dma_start3A_76 = arith.constant 0 : i32
      %dma_start3A_77 = tpu.memref_slice %arg14[%add3A_24, %dma_start3A_76] : memref<10240x64xf32, #tpu.memory_space<vmem_shared>> -> memref<128x64xf32, #tpu.memory_space<vmem_shared>>
      %dma_start3A_78 = arith.constant 0 : i32
      %dma_start3A_79 = tpu.memref_slice %arg14[%add3A_24, %dma_start3A_78] : memref<10240x64xf32, #tpu.memory_space<vmem_shared>> -> memref<128x64xf32, #tpu.memory_space<vmem_shared>>
      tpu.enqueue_dma source(%arg13 : memref<128x64xf32, #tpu.memory_space<vmem>>) target(%dma_start3A_79 : memref<128x64xf32, #tpu.memory_space<vmem_shared>>) target_semaphore(%run_scoped3A : memref<!tpu.dma_semaphore, #tpu.memory_space<semaphore_mem>>)
      %dma_wait3A_80 = arith.constant 0 : i32
      %dma_wait3A_81 = tpu.memref_slice %arg14[%add3A_24, %dma_wait3A_80] : memref<10240x64xf32, #tpu.memory_space<vmem_shared>> -> memref<128x64xf32, #tpu.memory_space<vmem_shared>>
      %dma_wait3A_82 = arith.constant 0 : i32
      %dma_wait3A_83 = tpu.memref_slice %arg14[%add3A_24, %dma_wait3A_82] : memref<10240x64xf32, #tpu.memory_space<vmem_shared>> -> memref<128x64xf32, #tpu.memory_space<vmem_shared>>
      tpu.wait_dma2 semaphore(%run_scoped3A : memref<!tpu.dma_semaphore, #tpu.memory_space<semaphore_mem>>) src(%arg13 : memref<128x64xf32, #tpu.memory_space<vmem>>) dst(%dma_wait3A_83 : memref<128x64xf32, #tpu.memory_space<vmem_shared>>)
      tpu.yield
    }) : () -> ()
    "tpu.region"() ({
      %run_scoped3A = tpu.sem_alloc : memref<!tpu.dma_semaphore, #tpu.memory_space<semaphore_mem>>
      %dma_start3A_76 = tpu.memref_slice %arg25[%mul3A_15] : memref<10240xf32, #tpu.memory_space<vmem_shared>> -> memref<640xf32, #tpu.memory_space<vmem_shared>>
      %dma_start3A_77 = tpu.memref_slice %arg25[%mul3A_15] : memref<10240xf32, #tpu.memory_space<vmem_shared>> -> memref<640xf32, #tpu.memory_space<vmem_shared>>
      tpu.enqueue_dma source(%arg24 : memref<640xf32, #tpu.memory_space<vmem>>) target(%dma_start3A_77 : memref<640xf32, #tpu.memory_space<vmem_shared>>) target_semaphore(%run_scoped3A : memref<!tpu.dma_semaphore, #tpu.memory_space<semaphore_mem>>)
      %dma_wait3A_78 = tpu.memref_slice %arg25[%mul3A_15] : memref<10240xf32, #tpu.memory_space<vmem_shared>> -> memref<640xf32, #tpu.memory_space<vmem_shared>>
      %dma_wait3A_79 = tpu.memref_slice %arg25[%mul3A_15] : memref<10240xf32, #tpu.memory_space<vmem_shared>> -> memref<640xf32, #tpu.memory_space<vmem_shared>>
      tpu.wait_dma2 semaphore(%run_scoped3A : memref<!tpu.dma_semaphore, #tpu.memory_space<semaphore_mem>>) src(%arg24 : memref<640xf32, #tpu.memory_space<vmem>>) dst(%dma_wait3A_79 : memref<640xf32, #tpu.memory_space<vmem_shared>>)
      tpu.yield
    }) : () -> ()
    %barrier3A = arith.constant 0 : index
    tpu.barrier barrier_id(%barrier3A)
    "tpu.region"() ({
      %run_scoped3A = tpu.sem_alloc : memref<!tpu.dma_semaphore, #tpu.memory_space<semaphore_mem>>
      %dma_start3A_76 = arith.constant 0 : i32
      %dma_start3A_77 = arith.constant 0 : i32
      %dma_start3A_78 = tpu.memref_slice %arg3[%arg0, %arg1, %dma_start3A_76, %dma_start3A_77] : memref<2x16x160x128xi32, #tpu.memory_space<hbm>> -> memref<1x1x160x128xi32, #tpu.memory_space<hbm>>
      %dma_start3A_79 = tpu.memref_squeeze %dma_start3A_78 : memref<1x1x160x128xi32, #tpu.memory_space<hbm>> -> memref<160x128xi32, #tpu.memory_space<hbm>>
      %dma_start3A_80 = arith.constant 0 : i32
      %dma_start3A_81 = arith.constant 0 : i32
      %dma_start3A_82 = tpu.memref_slice %arg3[%arg0, %arg1, %dma_start3A_80, %dma_start3A_81] : memref<2x16x160x128xi32, #tpu.memory_space<hbm>> -> memref<1x1x160x128xi32, #tpu.memory_space<hbm>>
      %dma_start3A_83 = tpu.memref_squeeze %dma_start3A_82 : memref<1x1x160x128xi32, #tpu.memory_space<hbm>> -> memref<160x128xi32, #tpu.memory_space<hbm>>
      tpu.enqueue_dma source(%dma_start3A_83 : memref<160x128xi32, #tpu.memory_space<hbm>>) target(%arg7 : memref<160x128xi32, #tpu.memory_space<vmem>>) target_semaphore(%run_scoped3A : memref<!tpu.dma_semaphore, #tpu.memory_space<semaphore_mem>>)
      %dma_wait3A_84 = arith.constant 0 : i32
      %dma_wait3A_85 = arith.constant 0 : i32
      %dma_wait3A_86 = tpu.memref_slice %arg3[%arg0, %arg1, %dma_wait3A_84, %dma_wait3A_85] : memref<2x16x160x128xi32, #tpu.memory_space<hbm>> -> memref<1x1x160x128xi32, #tpu.memory_space<hbm>>
      %dma_wait3A_87 = tpu.memref_squeeze %dma_wait3A_86 : memref<1x1x160x128xi32, #tpu.memory_space<hbm>> -> memref<160x128xi32, #tpu.memory_space<hbm>>
      %dma_wait3A_88 = arith.constant 0 : i32
      %dma_wait3A_89 = arith.constant 0 : i32
      %dma_wait3A_90 = tpu.memref_slice %arg3[%arg0, %arg1, %dma_wait3A_88, %dma_wait3A_89] : memref<2x16x160x128xi32, #tpu.memory_space<hbm>> -> memref<1x1x160x128xi32, #tpu.memory_space<hbm>>
      %dma_wait3A_91 = tpu.memref_squeeze %dma_wait3A_90 : memref<1x1x160x128xi32, #tpu.memory_space<hbm>> -> memref<160x128xi32, #tpu.memory_space<hbm>>
      tpu.wait_dma2 semaphore(%run_scoped3A : memref<!tpu.dma_semaphore, #tpu.memory_space<semaphore_mem>>) src(%dma_wait3A_91 : memref<160x128xi32, #tpu.memory_space<hbm>>) dst(%arg7 : memref<160x128xi32, #tpu.memory_space<vmem>>)
      tpu.yield
    }) : () -> ()
    "tpu.region"() ({
      %run_scoped3A = tpu.sem_alloc : memref<!tpu.dma_semaphore, #tpu.memory_space<semaphore_mem>>
      %dma_start3A_76 = arith.constant 0 : i32
      %dma_start3A_77 = arith.constant 0 : i32
      %dma_start3A_78 = tpu.memref_slice %arg4[%arg1, %dma_start3A_76, %dma_start3A_77] : memref<16x160x128xi32, #tpu.memory_space<hbm>> -> memref<1x160x128xi32, #tpu.memory_space<hbm>>
      %dma_start3A_79 = tpu.memref_squeeze %dma_start3A_78 : memref<1x160x128xi32, #tpu.memory_space<hbm>> -> memref<160x128xi32, #tpu.memory_space<hbm>>
      %dma_start3A_80 = arith.constant 0 : i32
      %dma_start3A_81 = arith.constant 0 : i32
      %dma_start3A_82 = tpu.memref_slice %arg4[%arg1, %dma_start3A_80, %dma_start3A_81] : memref<16x160x128xi32, #tpu.memory_space<hbm>> -> memref<1x160x128xi32, #tpu.memory_space<hbm>>
      %dma_start3A_83 = tpu.memref_squeeze %dma_start3A_82 : memref<1x160x128xi32, #tpu.memory_space<hbm>> -> memref<160x128xi32, #tpu.memory_space<hbm>>
      tpu.enqueue_dma source(%dma_start3A_83 : memref<160x128xi32, #tpu.memory_space<hbm>>) target(%arg8 : memref<160x128xi32, #tpu.memory_space<vmem>>) target_semaphore(%run_scoped3A : memref<!tpu.dma_semaphore, #tpu.memory_space<semaphore_mem>>)
      %dma_wait3A_84 = arith.constant 0 : i32
      %dma_wait3A_85 = arith.constant 0 : i32
      %dma_wait3A_86 = tpu.memref_slice %arg4[%arg1, %dma_wait3A_84, %dma_wait3A_85] : memref<16x160x128xi32, #tpu.memory_space<hbm>> -> memref<1x160x128xi32, #tpu.memory_space<hbm>>
      %dma_wait3A_87 = tpu.memref_squeeze %dma_wait3A_86 : memref<1x160x128xi32, #tpu.memory_space<hbm>> -> memref<160x128xi32, #tpu.memory_space<hbm>>
      %dma_wait3A_88 = arith.constant 0 : i32
      %dma_wait3A_89 = arith.constant 0 : i32
      %dma_wait3A_90 = tpu.memref_slice %arg4[%arg1, %dma_wait3A_88, %dma_wait3A_89] : memref<16x160x128xi32, #tpu.memory_space<hbm>> -> memref<1x160x128xi32, #tpu.memory_space<hbm>>
      %dma_wait3A_91 = tpu.memref_squeeze %dma_wait3A_90 : memref<1x160x128xi32, #tpu.memory_space<hbm>> -> memref<160x128xi32, #tpu.memory_space<hbm>>
      tpu.wait_dma2 semaphore(%run_scoped3A : memref<!tpu.dma_semaphore, #tpu.memory_space<semaphore_mem>>) src(%dma_wait3A_91 : memref<160x128xi32, #tpu.memory_space<hbm>>) dst(%arg8 : memref<160x128xi32, #tpu.memory_space<vmem>>)
      tpu.yield
    }) : () -> ()
    %dma_start3A = arith.constant 0 : i32
    %dma_start3A_25 = arith.constant 0 : i32
    %dma_start3A_26 = tpu.memref_slice %arg7[%dma_start3A, %dma_start3A_25] : memref<160x128xi32, #tpu.memory_space<vmem>> -> memref<1x128xi32, #tpu.memory_space<vmem>>
    %dma_start3A_27 = tpu.memref_squeeze %dma_start3A_26 : memref<1x128xi32, #tpu.memory_space<vmem>> -> memref<128xi32, #tpu.memory_space<vmem>>
    %dma_start3A_28 = arith.constant 0 : i32
    %dma_start3A_29 = arith.constant 0 : i32
    %dma_start3A_30 = tpu.memref_slice %arg2[%dma_start3A_28, %dma_start3A_29] : memref<20480x64xf32, #tpu.memory_space<hbm>> -> memref<20480x64xf32, #tpu.memory_space<hbm>>
    tpu.enqueue_indirect_dma source(%dma_start3A_30 : memref<20480x64xf32, #tpu.memory_space<hbm>>) target(%arg9 : memref<128x64xf32, #tpu.memory_space<vmem>>) offsets(%dma_start3A_27 : memref<128xi32, #tpu.memory_space<vmem>>) semaphore(%arg15 : memref<!tpu.dma_semaphore, #tpu.memory_space<semaphore_mem>>)
    %dma_start3A_31 = arith.constant 1 : i32
    %dma_start3A_32 = arith.constant 0 : i32
    %dma_start3A_33 = tpu.memref_slice %arg7[%dma_start3A_31, %dma_start3A_32] : memref<160x128xi32, #tpu.memory_space<vmem>> -> memref<1x128xi32, #tpu.memory_space<vmem>>
    %dma_start3A_34 = tpu.memref_squeeze %dma_start3A_33 : memref<1x128xi32, #tpu.memory_space<vmem>> -> memref<128xi32, #tpu.memory_space<vmem>>
    %dma_start3A_35 = arith.constant 0 : i32
    %dma_start3A_36 = arith.constant 0 : i32
    %dma_start3A_37 = tpu.memref_slice %arg2[%dma_start3A_35, %dma_start3A_36] : memref<20480x64xf32, #tpu.memory_space<hbm>> -> memref<20480x64xf32, #tpu.memory_space<hbm>>
    tpu.enqueue_indirect_dma source(%dma_start3A_37 : memref<20480x64xf32, #tpu.memory_space<hbm>>) target(%arg10 : memref<128x64xf32, #tpu.memory_space<vmem>>) offsets(%dma_start3A_34 : memref<128xi32, #tpu.memory_space<vmem>>) semaphore(%arg16 : memref<!tpu.dma_semaphore, #tpu.memory_space<semaphore_mem>>)
    %dma_start3A_38 = arith.constant 2 : i32
    %dma_start3A_39 = arith.constant 0 : i32
    %dma_start3A_40 = tpu.memref_slice %arg7[%dma_start3A_38, %dma_start3A_39] : memref<160x128xi32, #tpu.memory_space<vmem>> -> memref<1x128xi32, #tpu.memory_space<vmem>>
    %dma_start3A_41 = tpu.memref_squeeze %dma_start3A_40 : memref<1x128xi32, #tpu.memory_space<vmem>> -> memref<128xi32, #tpu.memory_space<vmem>>
    %dma_start3A_42 = arith.constant 0 : i32
    %dma_start3A_43 = arith.constant 0 : i32
    %dma_start3A_44 = tpu.memref_slice %arg2[%dma_start3A_42, %dma_start3A_43] : memref<20480x64xf32, #tpu.memory_space<hbm>> -> memref<20480x64xf32, #tpu.memory_space<hbm>>
    tpu.enqueue_indirect_dma source(%dma_start3A_44 : memref<20480x64xf32, #tpu.memory_space<hbm>>) target(%arg11 : memref<128x64xf32, #tpu.memory_space<vmem>>) offsets(%dma_start3A_41 : memref<128xi32, #tpu.memory_space<vmem>>) semaphore(%arg17 : memref<!tpu.dma_semaphore, #tpu.memory_space<semaphore_mem>>)
    %dma_start3A_45 = arith.constant 3 : i32
    %dma_start3A_46 = arith.constant 0 : i32
    %dma_start3A_47 = tpu.memref_slice %arg7[%dma_start3A_45, %dma_start3A_46] : memref<160x128xi32, #tpu.memory_space<vmem>> -> memref<1x128xi32, #tpu.memory_space<vmem>>
    %dma_start3A_48 = tpu.memref_squeeze %dma_start3A_47 : memref<1x128xi32, #tpu.memory_space<vmem>> -> memref<128xi32, #tpu.memory_space<vmem>>
    %dma_start3A_49 = arith.constant 0 : i32
    %dma_start3A_50 = arith.constant 0 : i32
    %dma_start3A_51 = tpu.memref_slice %arg2[%dma_start3A_49, %dma_start3A_50] : memref<20480x64xf32, #tpu.memory_space<hbm>> -> memref<20480x64xf32, #tpu.memory_space<hbm>>
    tpu.enqueue_indirect_dma source(%dma_start3A_51 : memref<20480x64xf32, #tpu.memory_space<hbm>>) target(%arg12 : memref<128x64xf32, #tpu.memory_space<vmem>>) offsets(%dma_start3A_48 : memref<128xi32, #tpu.memory_space<vmem>>) semaphore(%arg18 : memref<!tpu.dma_semaphore, #tpu.memory_space<semaphore_mem>>)
    %scan3A_52 = arith.constant 0 : i32
    %scan3A_53 = arith.constant 40 : i32
    %scan3A_54 = arith.addi %scan3A_52, %scan3A_53 : i32
    %scan3A_55 = arith.constant 1 : i32
    scf.for %scan3A_76 = %scan3A_52 to %scan3A_54 step %scan3A_55  : i32 {
      %mul3A_77 = arith.constant 4 : i32
      %mul3A_78 = arith.muli %scan3A_76, %mul3A_77 : i32
      %add3A_79 = arith.constant 0 : i32
      %add3A_80 = arith.addi %add3A_79, %mul3A_78 : i32
      %add3A_81 = arith.constant 0 : i32
      %add3A_82 = arith.addi %add3A_80, %add3A_81 : i32
      %dma_wait3A_83 = arith.constant 0 : i32
      %dma_wait3A_84 = tpu.memref_slice %arg7[%add3A_82, %dma_wait3A_83] : memref<160x128xi32, #tpu.memory_space<vmem>> -> memref<1x128xi32, #tpu.memory_space<vmem>>
      %dma_wait3A_85 = tpu.memref_squeeze %dma_wait3A_84 : memref<1x128xi32, #tpu.memory_space<vmem>> -> memref<128xi32, #tpu.memory_space<vmem>>
      %dma_wait3A_86 = arith.constant 0 : i32
      %dma_wait3A_87 = arith.constant 0 : i32
      %dma_wait3A_88 = tpu.memref_slice %arg2[%dma_wait3A_86, %dma_wait3A_87] : memref<20480x64xf32, #tpu.memory_space<hbm>> -> memref<20480x64xf32, #tpu.memory_space<hbm>>
      tpu.wait_indirect_dma semaphore(%arg15 : memref<!tpu.dma_semaphore, #tpu.memory_space<semaphore_mem>>) src(%dma_wait3A_88 : memref<20480x64xf32, #tpu.memory_space<hbm>>) dst(%arg9 : memref<128x64xf32, #tpu.memory_space<vmem>>)
      %dma_start3A_89 = arith.constant 0 : i32
      %dma_start3A_90 = tpu.memref_slice %arg8[%add3A_82, %dma_start3A_89] : memref<160x128xi32, #tpu.memory_space<vmem>> -> memref<1x128xi32, #tpu.memory_space<vmem>>
      %dma_start3A_91 = tpu.memref_squeeze %dma_start3A_90 : memref<1x128xi32, #tpu.memory_space<vmem>> -> memref<128xi32, #tpu.memory_space<vmem>>
      %dma_start3A_92 = arith.constant 0 : i32
      %dma_start3A_93 = arith.constant 0 : i32
      %dma_start3A_94 = tpu.memref_slice %arg14[%dma_start3A_92, %dma_start3A_93] : memref<10240x64xf32, #tpu.memory_space<vmem_shared>> -> memref<10240x64xf32, #tpu.memory_space<vmem_shared>>
      tpu.enqueue_indirect_dma source(%arg9 : memref<128x64xf32, #tpu.memory_space<vmem>>) target(%dma_start3A_94 : memref<10240x64xf32, #tpu.memory_space<vmem_shared>>) offsets(%dma_start3A_91 : memref<128xi32, #tpu.memory_space<vmem>>) semaphore(%arg19 : memref<!tpu.dma_semaphore, #tpu.memory_space<semaphore_mem>>) {add = true}
      %lt3A = arith.constant 80 : i32
      %lt3A_95 = arith.cmpi slt, %add3A_82, %lt3A : i32
      %eq3A = arith.constant 0 : i32
      %eq3A_96 = arith.cmpi eq, %arg0, %eq3A : i32
      %eq3A_97 = arith.xori %lt3A_95, %eq3A_96 : i1
      %eq3A_98 = arith.constant true
      %eq3A_99 = arith.xori %eq3A_97, %eq3A_98 : i1
      %convert_element_type3A = arith.extui %eq3A_99 : i1 to i32
      %cond3A = arith.constant 0 : i32
      %cond3A_100 = arith.cmpi ne, %convert_element_type3A, %cond3A : i32
      scf.if %cond3A_100 {
        %dma_start3A_231 = arith.constant 0 : i32
        %dma_start3A_232 = tpu.memref_slice %arg8[%add3A_82, %dma_start3A_231] : memref<160x128xi32, #tpu.memory_space<vmem>> -> memref<1x128xi32, #tpu.memory_space<vmem>>
        %dma_start3A_233 = tpu.memref_squeeze %dma_start3A_232 : memref<1x128xi32, #tpu.memory_space<vmem>> -> memref<128xi32, #tpu.memory_space<vmem>>
        %dma_start3A_234 = arith.constant 0 : i32
        %dma_start3A_235 = tpu.memref_slice %arg25[%dma_start3A_234] : memref<10240xf32, #tpu.memory_space<vmem_shared>> -> memref<10240xf32, #tpu.memory_space<vmem_shared>>
        tpu.enqueue_indirect_dma source(%arg23 : memref<128xf32, #tpu.memory_space<vmem>>) target(%dma_start3A_235 : memref<10240xf32, #tpu.memory_space<vmem_shared>>) offsets(%dma_start3A_233 : memref<128xi32, #tpu.memory_space<vmem>>) semaphore(%arg26 : memref<!tpu.dma_semaphore, #tpu.memory_space<semaphore_mem>>) {add = true}
      } else {
      }
      %ge3A = arith.constant 2 : i32
      %ge3A_101 = arith.cmpi sge, %add3A_82, %ge3A : i32
      %convert_element_type3A_102 = arith.extui %ge3A_101 : i1 to i32
      %cond3A_103 = arith.constant 0 : i32
      %cond3A_104 = arith.cmpi ne, %convert_element_type3A_102, %cond3A_103 : i32
      scf.if %cond3A_104 {
        %dma_wait3A_231 = arith.constant 0 : i32
        %dma_wait3A_232 = tpu.memref_slice %arg8[%add3A_82, %dma_wait3A_231] : memref<160x128xi32, #tpu.memory_space<vmem>> -> memref<1x128xi32, #tpu.memory_space<vmem>>
        %dma_wait3A_233 = tpu.memref_squeeze %dma_wait3A_232 : memref<1x128xi32, #tpu.memory_space<vmem>> -> memref<128xi32, #tpu.memory_space<vmem>>
        %dma_wait3A_234 = arith.constant 0 : i32
        %dma_wait3A_235 = arith.constant 0 : i32
        %dma_wait3A_236 = tpu.memref_slice %arg14[%dma_wait3A_234, %dma_wait3A_235] : memref<10240x64xf32, #tpu.memory_space<vmem_shared>> -> memref<10240x64xf32, #tpu.memory_space<vmem_shared>>
        tpu.wait_indirect_dma semaphore(%arg21 : memref<!tpu.dma_semaphore, #tpu.memory_space<semaphore_mem>>) src(%arg11 : memref<128x64xf32, #tpu.memory_space<vmem>>) dst(%dma_wait3A_236 : memref<10240x64xf32, #tpu.memory_space<vmem_shared>>)
      } else {
      }
      %ge3A_105 = arith.constant 2 : i32
      %ge3A_106 = arith.cmpi sge, %add3A_82, %ge3A_105 : i32
      %add3A_107 = arith.constant 2 : i32
      %add3A_108 = arith.addi %add3A_82, %add3A_107 : i32
      %lt3A_109 = arith.constant 160 : i32
      %lt3A_110 = arith.cmpi slt, %add3A_108, %lt3A_109 : i32
      %and3A = arith.andi %ge3A_106, %lt3A_110 : i1
      %convert_element_type3A_111 = arith.extui %and3A : i1 to i32
      %cond3A_112 = arith.constant 0 : i32
      %cond3A_113 = arith.cmpi ne, %convert_element_type3A_111, %cond3A_112 : i32
      scf.if %cond3A_113 {
        %add3A_231 = arith.constant 2 : i32
        %add3A_232 = arith.addi %add3A_82, %add3A_231 : i32
        %dma_start3A_233 = arith.constant 0 : i32
        %dma_start3A_234 = tpu.memref_slice %arg7[%add3A_232, %dma_start3A_233] : memref<160x128xi32, #tpu.memory_space<vmem>> -> memref<1x128xi32, #tpu.memory_space<vmem>>
        %dma_start3A_235 = tpu.memref_squeeze %dma_start3A_234 : memref<1x128xi32, #tpu.memory_space<vmem>> -> memref<128xi32, #tpu.memory_space<vmem>>
        %dma_start3A_236 = arith.constant 0 : i32
        %dma_start3A_237 = arith.constant 0 : i32
        %dma_start3A_238 = tpu.memref_slice %arg2[%dma_start3A_236, %dma_start3A_237] : memref<20480x64xf32, #tpu.memory_space<hbm>> -> memref<20480x64xf32, #tpu.memory_space<hbm>>
        tpu.enqueue_indirect_dma source(%dma_start3A_238 : memref<20480x64xf32, #tpu.memory_space<hbm>>) target(%arg11 : memref<128x64xf32, #tpu.memory_space<vmem>>) offsets(%dma_start3A_235 : memref<128xi32, #tpu.memory_space<vmem>>) semaphore(%arg17 : memref<!tpu.dma_semaphore, #tpu.memory_space<semaphore_mem>>)
      } else {
      }
      %add3A_114 = arith.constant 1 : i32
      %add3A_115 = arith.addi %add3A_80, %add3A_114 : i32
      %dma_wait3A_116 = arith.constant 0 : i32
      %dma_wait3A_117 = tpu.memref_slice %arg7[%add3A_115, %dma_wait3A_116] : memref<160x128xi32, #tpu.memory_space<vmem>> -> memref<1x128xi32, #tpu.memory_space<vmem>>
      %dma_wait3A_118 = tpu.memref_squeeze %dma_wait3A_117 : memref<1x128xi32, #tpu.memory_space<vmem>> -> memref<128xi32, #tpu.memory_space<vmem>>
      %dma_wait3A_119 = arith.constant 0 : i32
      %dma_wait3A_120 = arith.constant 0 : i32
      %dma_wait3A_121 = tpu.memref_slice %arg2[%dma_wait3A_119, %dma_wait3A_120] : memref<20480x64xf32, #tpu.memory_space<hbm>> -> memref<20480x64xf32, #tpu.memory_space<hbm>>
      tpu.wait_indirect_dma semaphore(%arg16 : memref<!tpu.dma_semaphore, #tpu.memory_space<semaphore_mem>>) src(%dma_wait3A_121 : memref<20480x64xf32, #tpu.memory_space<hbm>>) dst(%arg10 : memref<128x64xf32, #tpu.memory_space<vmem>>)
      %dma_start3A_122 = arith.constant 0 : i32
      %dma_start3A_123 = tpu.memref_slice %arg8[%add3A_115, %dma_start3A_122] : memref<160x128xi32, #tpu.memory_space<vmem>> -> memref<1x128xi32, #tpu.memory_space<vmem>>
      %dma_start3A_124 = tpu.memref_squeeze %dma_start3A_123 : memref<1x128xi32, #tpu.memory_space<vmem>> -> memref<128xi32, #tpu.memory_space<vmem>>
      %dma_start3A_125 = arith.constant 0 : i32
      %dma_start3A_126 = arith.constant 0 : i32
      %dma_start3A_127 = tpu.memref_slice %arg14[%dma_start3A_125, %dma_start3A_126] : memref<10240x64xf32, #tpu.memory_space<vmem_shared>> -> memref<10240x64xf32, #tpu.memory_space<vmem_shared>>
      tpu.enqueue_indirect_dma source(%arg10 : memref<128x64xf32, #tpu.memory_space<vmem>>) target(%dma_start3A_127 : memref<10240x64xf32, #tpu.memory_space<vmem_shared>>) offsets(%dma_start3A_124 : memref<128xi32, #tpu.memory_space<vmem>>) semaphore(%arg20 : memref<!tpu.dma_semaphore, #tpu.memory_space<semaphore_mem>>) {add = true}
      %lt3A_128 = arith.constant 80 : i32
      %lt3A_129 = arith.cmpi slt, %add3A_115, %lt3A_128 : i32
      %eq3A_130 = arith.constant 0 : i32
      %eq3A_131 = arith.cmpi eq, %arg0, %eq3A_130 : i32
      %eq3A_132 = arith.xori %lt3A_129, %eq3A_131 : i1
      %eq3A_133 = arith.constant true
      %eq3A_134 = arith.xori %eq3A_132, %eq3A_133 : i1
      %convert_element_type3A_135 = arith.extui %eq3A_134 : i1 to i32
      %cond3A_136 = arith.constant 0 : i32
      %cond3A_137 = arith.cmpi ne, %convert_element_type3A_135, %cond3A_136 : i32
      scf.if %cond3A_137 {
        %dma_start3A_231 = arith.constant 0 : i32
        %dma_start3A_232 = tpu.memref_slice %arg8[%add3A_115, %dma_start3A_231] : memref<160x128xi32, #tpu.memory_space<vmem>> -> memref<1x128xi32, #tpu.memory_space<vmem>>
        %dma_start3A_233 = tpu.memref_squeeze %dma_start3A_232 : memref<1x128xi32, #tpu.memory_space<vmem>> -> memref<128xi32, #tpu.memory_space<vmem>>
        %dma_start3A_234 = arith.constant 0 : i32
        %dma_start3A_235 = tpu.memref_slice %arg25[%dma_start3A_234] : memref<10240xf32, #tpu.memory_space<vmem_shared>> -> memref<10240xf32, #tpu.memory_space<vmem_shared>>
        tpu.enqueue_indirect_dma source(%arg23 : memref<128xf32, #tpu.memory_space<vmem>>) target(%dma_start3A_235 : memref<10240xf32, #tpu.memory_space<vmem_shared>>) offsets(%dma_start3A_233 : memref<128xi32, #tpu.memory_space<vmem>>) semaphore(%arg26 : memref<!tpu.dma_semaphore, #tpu.memory_space<semaphore_mem>>) {add = true}
      } else {
      }
      %ge3A_138 = arith.constant 2 : i32
      %ge3A_139 = arith.cmpi sge, %add3A_115, %ge3A_138 : i32
      %convert_element_type3A_140 = arith.extui %ge3A_139 : i1 to i32
      %cond3A_141 = arith.constant 0 : i32
      %cond3A_142 = arith.cmpi ne, %convert_element_type3A_140, %cond3A_141 : i32
      scf.if %cond3A_142 {
        %dma_wait3A_231 = arith.constant 0 : i32
        %dma_wait3A_232 = tpu.memref_slice %arg8[%add3A_115, %dma_wait3A_231] : memref<160x128xi32, #tpu.memory_space<vmem>> -> memref<1x128xi32, #tpu.memory_space<vmem>>
        %dma_wait3A_233 = tpu.memref_squeeze %dma_wait3A_232 : memref<1x128xi32, #tpu.memory_space<vmem>> -> memref<128xi32, #tpu.memory_space<vmem>>
        %dma_wait3A_234 = arith.constant 0 : i32
        %dma_wait3A_235 = arith.constant 0 : i32
        %dma_wait3A_236 = tpu.memref_slice %arg14[%dma_wait3A_234, %dma_wait3A_235] : memref<10240x64xf32, #tpu.memory_space<vmem_shared>> -> memref<10240x64xf32, #tpu.memory_space<vmem_shared>>
        tpu.wait_indirect_dma semaphore(%arg22 : memref<!tpu.dma_semaphore, #tpu.memory_space<semaphore_mem>>) src(%arg12 : memref<128x64xf32, #tpu.memory_space<vmem>>) dst(%dma_wait3A_236 : memref<10240x64xf32, #tpu.memory_space<vmem_shared>>)
      } else {
      }
      %ge3A_143 = arith.constant 2 : i32
      %ge3A_144 = arith.cmpi sge, %add3A_115, %ge3A_143 : i32
      %add3A_145 = arith.constant 2 : i32
      %add3A_146 = arith.addi %add3A_115, %add3A_145 : i32
      %lt3A_147 = arith.constant 160 : i32
      %lt3A_148 = arith.cmpi slt, %add3A_146, %lt3A_147 : i32
      %and3A_149 = arith.andi %ge3A_144, %lt3A_148 : i1
      %convert_element_type3A_150 = arith.extui %and3A_149 : i1 to i32
      %cond3A_151 = arith.constant 0 : i32
      %cond3A_152 = arith.cmpi ne, %convert_element_type3A_150, %cond3A_151 : i32
      scf.if %cond3A_152 {
        %add3A_231 = arith.constant 2 : i32
        %add3A_232 = arith.addi %add3A_115, %add3A_231 : i32
        %dma_start3A_233 = arith.constant 0 : i32
        %dma_start3A_234 = tpu.memref_slice %arg7[%add3A_232, %dma_start3A_233] : memref<160x128xi32, #tpu.memory_space<vmem>> -> memref<1x128xi32, #tpu.memory_space<vmem>>
        %dma_start3A_235 = tpu.memref_squeeze %dma_start3A_234 : memref<1x128xi32, #tpu.memory_space<vmem>> -> memref<128xi32, #tpu.memory_space<vmem>>
        %dma_start3A_236 = arith.constant 0 : i32
        %dma_start3A_237 = arith.constant 0 : i32
        %dma_start3A_238 = tpu.memref_slice %arg2[%dma_start3A_236, %dma_start3A_237] : memref<20480x64xf32, #tpu.memory_space<hbm>> -> memref<20480x64xf32, #tpu.memory_space<hbm>>
        tpu.enqueue_indirect_dma source(%dma_start3A_238 : memref<20480x64xf32, #tpu.memory_space<hbm>>) target(%arg12 : memref<128x64xf32, #tpu.memory_space<vmem>>) offsets(%dma_start3A_235 : memref<128xi32, #tpu.memory_space<vmem>>) semaphore(%arg18 : memref<!tpu.dma_semaphore, #tpu.memory_space<semaphore_mem>>)
      } else {
      }
      %add3A_153 = arith.constant 2 : i32
      %add3A_154 = arith.addi %add3A_80, %add3A_153 : i32
      %dma_wait3A_155 = arith.constant 0 : i32
      %dma_wait3A_156 = tpu.memref_slice %arg7[%add3A_154, %dma_wait3A_155] : memref<160x128xi32, #tpu.memory_space<vmem>> -> memref<1x128xi32, #tpu.memory_space<vmem>>
      %dma_wait3A_157 = tpu.memref_squeeze %dma_wait3A_156 : memref<1x128xi32, #tpu.memory_space<vmem>> -> memref<128xi32, #tpu.memory_space<vmem>>
      %dma_wait3A_158 = arith.constant 0 : i32
      %dma_wait3A_159 = arith.constant 0 : i32
      %dma_wait3A_160 = tpu.memref_slice %arg2[%dma_wait3A_158, %dma_wait3A_159] : memref<20480x64xf32, #tpu.memory_space<hbm>> -> memref<20480x64xf32, #tpu.memory_space<hbm>>
      tpu.wait_indirect_dma semaphore(%arg17 : memref<!tpu.dma_semaphore, #tpu.memory_space<semaphore_mem>>) src(%dma_wait3A_160 : memref<20480x64xf32, #tpu.memory_space<hbm>>) dst(%arg11 : memref<128x64xf32, #tpu.memory_space<vmem>>)
      %dma_start3A_161 = arith.constant 0 : i32
      %dma_start3A_162 = tpu.memref_slice %arg8[%add3A_154, %dma_start3A_161] : memref<160x128xi32, #tpu.memory_space<vmem>> -> memref<1x128xi32, #tpu.memory_space<vmem>>
      %dma_start3A_163 = tpu.memref_squeeze %dma_start3A_162 : memref<1x128xi32, #tpu.memory_space<vmem>> -> memref<128xi32, #tpu.memory_space<vmem>>
      %dma_start3A_164 = arith.constant 0 : i32
      %dma_start3A_165 = arith.constant 0 : i32
      %dma_start3A_166 = tpu.memref_slice %arg14[%dma_start3A_164, %dma_start3A_165] : memref<10240x64xf32, #tpu.memory_space<vmem_shared>> -> memref<10240x64xf32, #tpu.memory_space<vmem_shared>>
      tpu.enqueue_indirect_dma source(%arg11 : memref<128x64xf32, #tpu.memory_space<vmem>>) target(%dma_start3A_166 : memref<10240x64xf32, #tpu.memory_space<vmem_shared>>) offsets(%dma_start3A_163 : memref<128xi32, #tpu.memory_space<vmem>>) semaphore(%arg21 : memref<!tpu.dma_semaphore, #tpu.memory_space<semaphore_mem>>) {add = true}
      %lt3A_167 = arith.constant 80 : i32
      %lt3A_168 = arith.cmpi slt, %add3A_154, %lt3A_167 : i32
      %eq3A_169 = arith.constant 0 : i32
      %eq3A_170 = arith.cmpi eq, %arg0, %eq3A_169 : i32
      %eq3A_171 = arith.xori %lt3A_168, %eq3A_170 : i1
      %eq3A_172 = arith.constant true
      %eq3A_173 = arith.xori %eq3A_171, %eq3A_172 : i1
      %convert_element_type3A_174 = arith.extui %eq3A_173 : i1 to i32
      %cond3A_175 = arith.constant 0 : i32
      %cond3A_176 = arith.cmpi ne, %convert_element_type3A_174, %cond3A_175 : i32
      scf.if %cond3A_176 {
        %dma_start3A_231 = arith.constant 0 : i32
        %dma_start3A_232 = tpu.memref_slice %arg8[%add3A_154, %dma_start3A_231] : memref<160x128xi32, #tpu.memory_space<vmem>> -> memref<1x128xi32, #tpu.memory_space<vmem>>
        %dma_start3A_233 = tpu.memref_squeeze %dma_start3A_232 : memref<1x128xi32, #tpu.memory_space<vmem>> -> memref<128xi32, #tpu.memory_space<vmem>>
        %dma_start3A_234 = arith.constant 0 : i32
        %dma_start3A_235 = tpu.memref_slice %arg25[%dma_start3A_234] : memref<10240xf32, #tpu.memory_space<vmem_shared>> -> memref<10240xf32, #tpu.memory_space<vmem_shared>>
        tpu.enqueue_indirect_dma source(%arg23 : memref<128xf32, #tpu.memory_space<vmem>>) target(%dma_start3A_235 : memref<10240xf32, #tpu.memory_space<vmem_shared>>) offsets(%dma_start3A_233 : memref<128xi32, #tpu.memory_space<vmem>>) semaphore(%arg26 : memref<!tpu.dma_semaphore, #tpu.memory_space<semaphore_mem>>) {add = true}
      } else {
      }
      %ge3A_177 = arith.constant 2 : i32
      %ge3A_178 = arith.cmpi sge, %add3A_154, %ge3A_177 : i32
      %convert_element_type3A_179 = arith.extui %ge3A_178 : i1 to i32
      %cond3A_180 = arith.constant 0 : i32
      %cond3A_181 = arith.cmpi ne, %convert_element_type3A_179, %cond3A_180 : i32
      scf.if %cond3A_181 {
        %dma_wait3A_231 = arith.constant 0 : i32
        %dma_wait3A_232 = tpu.memref_slice %arg8[%add3A_154, %dma_wait3A_231] : memref<160x128xi32, #tpu.memory_space<vmem>> -> memref<1x128xi32, #tpu.memory_space<vmem>>
        %dma_wait3A_233 = tpu.memref_squeeze %dma_wait3A_232 : memref<1x128xi32, #tpu.memory_space<vmem>> -> memref<128xi32, #tpu.memory_space<vmem>>
        %dma_wait3A_234 = arith.constant 0 : i32
        %dma_wait3A_235 = arith.constant 0 : i32
        %dma_wait3A_236 = tpu.memref_slice %arg14[%dma_wait3A_234, %dma_wait3A_235] : memref<10240x64xf32, #tpu.memory_space<vmem_shared>> -> memref<10240x64xf32, #tpu.memory_space<vmem_shared>>
        tpu.wait_indirect_dma semaphore(%arg19 : memref<!tpu.dma_semaphore, #tpu.memory_space<semaphore_mem>>) src(%arg9 : memref<128x64xf32, #tpu.memory_space<vmem>>) dst(%dma_wait3A_236 : memref<10240x64xf32, #tpu.memory_space<vmem_shared>>)
      } else {
      }
      %ge3A_182 = arith.constant 2 : i32
      %ge3A_183 = arith.cmpi sge, %add3A_154, %ge3A_182 : i32
      %add3A_184 = arith.constant 2 : i32
      %add3A_185 = arith.addi %add3A_154, %add3A_184 : i32
      %lt3A_186 = arith.constant 160 : i32
      %lt3A_187 = arith.cmpi slt, %add3A_185, %lt3A_186 : i32
      %and3A_188 = arith.andi %ge3A_183, %lt3A_187 : i1
      %convert_element_type3A_189 = arith.extui %and3A_188 : i1 to i32
      %cond3A_190 = arith.constant 0 : i32
      %cond3A_191 = arith.cmpi ne, %convert_element_type3A_189, %cond3A_190 : i32
      scf.if %cond3A_191 {
        %add3A_231 = arith.constant 2 : i32
        %add3A_232 = arith.addi %add3A_154, %add3A_231 : i32
        %dma_start3A_233 = arith.constant 0 : i32
        %dma_start3A_234 = tpu.memref_slice %arg7[%add3A_232, %dma_start3A_233] : memref<160x128xi32, #tpu.memory_space<vmem>> -> memref<1x128xi32, #tpu.memory_space<vmem>>
        %dma_start3A_235 = tpu.memref_squeeze %dma_start3A_234 : memref<1x128xi32, #tpu.memory_space<vmem>> -> memref<128xi32, #tpu.memory_space<vmem>>
        %dma_start3A_236 = arith.constant 0 : i32
        %dma_start3A_237 = arith.constant 0 : i32
        %dma_start3A_238 = tpu.memref_slice %arg2[%dma_start3A_236, %dma_start3A_237] : memref<20480x64xf32, #tpu.memory_space<hbm>> -> memref<20480x64xf32, #tpu.memory_space<hbm>>
        tpu.enqueue_indirect_dma source(%dma_start3A_238 : memref<20480x64xf32, #tpu.memory_space<hbm>>) target(%arg9 : memref<128x64xf32, #tpu.memory_space<vmem>>) offsets(%dma_start3A_235 : memref<128xi32, #tpu.memory_space<vmem>>) semaphore(%arg15 : memref<!tpu.dma_semaphore, #tpu.memory_space<semaphore_mem>>)
      } else {
      }
      %add3A_192 = arith.constant 3 : i32
      %add3A_193 = arith.addi %add3A_80, %add3A_192 : i32
      %dma_wait3A_194 = arith.constant 0 : i32
      %dma_wait3A_195 = tpu.memref_slice %arg7[%add3A_193, %dma_wait3A_194] : memref<160x128xi32, #tpu.memory_space<vmem>> -> memref<1x128xi32, #tpu.memory_space<vmem>>
      %dma_wait3A_196 = tpu.memref_squeeze %dma_wait3A_195 : memref<1x128xi32, #tpu.memory_space<vmem>> -> memref<128xi32, #tpu.memory_space<vmem>>
      %dma_wait3A_197 = arith.constant 0 : i32
      %dma_wait3A_198 = arith.constant 0 : i32
      %dma_wait3A_199 = tpu.memref_slice %arg2[%dma_wait3A_197, %dma_wait3A_198] : memref<20480x64xf32, #tpu.memory_space<hbm>> -> memref<20480x64xf32, #tpu.memory_space<hbm>>
      tpu.wait_indirect_dma semaphore(%arg18 : memref<!tpu.dma_semaphore, #tpu.memory_space<semaphore_mem>>) src(%dma_wait3A_199 : memref<20480x64xf32, #tpu.memory_space<hbm>>) dst(%arg12 : memref<128x64xf32, #tpu.memory_space<vmem>>)
      %dma_start3A_200 = arith.constant 0 : i32
      %dma_start3A_201 = tpu.memref_slice %arg8[%add3A_193, %dma_start3A_200] : memref<160x128xi32, #tpu.memory_space<vmem>> -> memref<1x128xi32, #tpu.memory_space<vmem>>
      %dma_start3A_202 = tpu.memref_squeeze %dma_start3A_201 : memref<1x128xi32, #tpu.memory_space<vmem>> -> memref<128xi32, #tpu.memory_space<vmem>>
      %dma_start3A_203 = arith.constant 0 : i32
      %dma_start3A_204 = arith.constant 0 : i32
      %dma_start3A_205 = tpu.memref_slice %arg14[%dma_start3A_203, %dma_start3A_204] : memref<10240x64xf32, #tpu.memory_space<vmem_shared>> -> memref<10240x64xf32, #tpu.memory_space<vmem_shared>>
      tpu.enqueue_indirect_dma source(%arg12 : memref<128x64xf32, #tpu.memory_space<vmem>>) target(%dma_start3A_205 : memref<10240x64xf32, #tpu.memory_space<vmem_shared>>) offsets(%dma_start3A_202 : memref<128xi32, #tpu.memory_space<vmem>>) semaphore(%arg22 : memref<!tpu.dma_semaphore, #tpu.memory_space<semaphore_mem>>) {add = true}
      %lt3A_206 = arith.constant 80 : i32
      %lt3A_207 = arith.cmpi slt, %add3A_193, %lt3A_206 : i32
      %eq3A_208 = arith.constant 0 : i32
      %eq3A_209 = arith.cmpi eq, %arg0, %eq3A_208 : i32
      %eq3A_210 = arith.xori %lt3A_207, %eq3A_209 : i1
      %eq3A_211 = arith.constant true
      %eq3A_212 = arith.xori %eq3A_210, %eq3A_211 : i1
      %convert_element_type3A_213 = arith.extui %eq3A_212 : i1 to i32
      %cond3A_214 = arith.constant 0 : i32
      %cond3A_215 = arith.cmpi ne, %convert_element_type3A_213, %cond3A_214 : i32
      scf.if %cond3A_215 {
        %dma_start3A_231 = arith.constant 0 : i32
        %dma_start3A_232 = tpu.memref_slice %arg8[%add3A_193, %dma_start3A_231] : memref<160x128xi32, #tpu.memory_space<vmem>> -> memref<1x128xi32, #tpu.memory_space<vmem>>
        %dma_start3A_233 = tpu.memref_squeeze %dma_start3A_232 : memref<1x128xi32, #tpu.memory_space<vmem>> -> memref<128xi32, #tpu.memory_space<vmem>>
        %dma_start3A_234 = arith.constant 0 : i32
        %dma_start3A_235 = tpu.memref_slice %arg25[%dma_start3A_234] : memref<10240xf32, #tpu.memory_space<vmem_shared>> -> memref<10240xf32, #tpu.memory_space<vmem_shared>>
        tpu.enqueue_indirect_dma source(%arg23 : memref<128xf32, #tpu.memory_space<vmem>>) target(%dma_start3A_235 : memref<10240xf32, #tpu.memory_space<vmem_shared>>) offsets(%dma_start3A_233 : memref<128xi32, #tpu.memory_space<vmem>>) semaphore(%arg26 : memref<!tpu.dma_semaphore, #tpu.memory_space<semaphore_mem>>) {add = true}
      } else {
      }
      %ge3A_216 = arith.constant 2 : i32
      %ge3A_217 = arith.cmpi sge, %add3A_193, %ge3A_216 : i32
      %convert_element_type3A_218 = arith.extui %ge3A_217 : i1 to i32
      %cond3A_219 = arith.constant 0 : i32
      %cond3A_220 = arith.cmpi ne, %convert_element_type3A_218, %cond3A_219 : i32
      scf.if %cond3A_220 {
        %dma_wait3A_231 = arith.constant 0 : i32
        %dma_wait3A_232 = tpu.memref_slice %arg8[%add3A_193, %dma_wait3A_231] : memref<160x128xi32, #tpu.memory_space<vmem>> -> memref<1x128xi32, #tpu.memory_space<vmem>>
        %dma_wait3A_233 = tpu.memref_squeeze %dma_wait3A_232 : memref<1x128xi32, #tpu.memory_space<vmem>> -> memref<128xi32, #tpu.memory_space<vmem>>
        %dma_wait3A_234 = arith.constant 0 : i32
        %dma_wait3A_235 = arith.constant 0 : i32
        %dma_wait3A_236 = tpu.memref_slice %arg14[%dma_wait3A_234, %dma_wait3A_235] : memref<10240x64xf32, #tpu.memory_space<vmem_shared>> -> memref<10240x64xf32, #tpu.memory_space<vmem_shared>>
        tpu.wait_indirect_dma semaphore(%arg20 : memref<!tpu.dma_semaphore, #tpu.memory_space<semaphore_mem>>) src(%arg10 : memref<128x64xf32, #tpu.memory_space<vmem>>) dst(%dma_wait3A_236 : memref<10240x64xf32, #tpu.memory_space<vmem_shared>>)
      } else {
      }
      %ge3A_221 = arith.constant 2 : i32
      %ge3A_222 = arith.cmpi sge, %add3A_193, %ge3A_221 : i32
      %add3A_223 = arith.constant 2 : i32
      %add3A_224 = arith.addi %add3A_193, %add3A_223 : i32
      %lt3A_225 = arith.constant 160 : i32
      %lt3A_226 = arith.cmpi slt, %add3A_224, %lt3A_225 : i32
      %and3A_227 = arith.andi %ge3A_222, %lt3A_226 : i1
      %convert_element_type3A_228 = arith.extui %and3A_227 : i1 to i32
      %cond3A_229 = arith.constant 0 : i32
      %cond3A_230 = arith.cmpi ne, %convert_element_type3A_228, %cond3A_229 : i32
      scf.if %cond3A_230 {
        %add3A_231 = arith.constant 2 : i32
        %add3A_232 = arith.addi %add3A_193, %add3A_231 : i32
        %dma_start3A_233 = arith.constant 0 : i32
        %dma_start3A_234 = tpu.memref_slice %arg7[%add3A_232, %dma_start3A_233] : memref<160x128xi32, #tpu.memory_space<vmem>> -> memref<1x128xi32, #tpu.memory_space<vmem>>
        %dma_start3A_235 = tpu.memref_squeeze %dma_start3A_234 : memref<1x128xi32, #tpu.memory_space<vmem>> -> memref<128xi32, #tpu.memory_space<vmem>>
        %dma_start3A_236 = arith.constant 0 : i32
        %dma_start3A_237 = arith.constant 0 : i32
        %dma_start3A_238 = tpu.memref_slice %arg2[%dma_start3A_236, %dma_start3A_237] : memref<20480x64xf32, #tpu.memory_space<hbm>> -> memref<20480x64xf32, #tpu.memory_space<hbm>>
        tpu.enqueue_indirect_dma source(%dma_start3A_238 : memref<20480x64xf32, #tpu.memory_space<hbm>>) target(%arg10 : memref<128x64xf32, #tpu.memory_space<vmem>>) offsets(%dma_start3A_235 : memref<128xi32, #tpu.memory_space<vmem>>) semaphore(%arg16 : memref<!tpu.dma_semaphore, #tpu.memory_space<semaphore_mem>>)
      } else {
      }
    }
    %scan3A_56 = arith.constant 40 : i32
    %dma_wait3A = arith.constant 0 : i32
    %dma_wait3A_57 = arith.constant 0 : i32
    %dma_wait3A_58 = tpu.memref_slice %arg8[%dma_wait3A, %dma_wait3A_57] : memref<160x128xi32, #tpu.memory_space<vmem>> -> memref<1x128xi32, #tpu.memory_space<vmem>>
    %dma_wait3A_59 = tpu.memref_squeeze %dma_wait3A_58 : memref<1x128xi32, #tpu.memory_space<vmem>> -> memref<128xi32, #tpu.memory_space<vmem>>
    %dma_wait3A_60 = arith.constant 0 : i32
    %dma_wait3A_61 = arith.constant 0 : i32
    %dma_wait3A_62 = tpu.memref_slice %arg14[%dma_wait3A_60, %dma_wait3A_61] : memref<10240x64xf32, #tpu.memory_space<vmem_shared>> -> memref<10240x64xf32, #tpu.memory_space<vmem_shared>>
    tpu.wait_indirect_dma semaphore(%arg21 : memref<!tpu.dma_semaphore, #tpu.memory_space<semaphore_mem>>) src(%arg11 : memref<128x64xf32, #tpu.memory_space<vmem>>) dst(%dma_wait3A_62 : memref<10240x64xf32, #tpu.memory_space<vmem_shared>>)
    %dma_wait3A_63 = arith.constant 0 : i32
    %dma_wait3A_64 = arith.constant 0 : i32
    %dma_wait3A_65 = tpu.memref_slice %arg8[%dma_wait3A_63, %dma_wait3A_64] : memref<160x128xi32, #tpu.memory_space<vmem>> -> memref<1x128xi32, #tpu.memory_space<vmem>>
    %dma_wait3A_66 = tpu.memref_squeeze %dma_wait3A_65 : memref<1x128xi32, #tpu.memory_space<vmem>> -> memref<128xi32, #tpu.memory_space<vmem>>
    %dma_wait3A_67 = arith.constant 0 : i32
    %dma_wait3A_68 = arith.constant 0 : i32
    %dma_wait3A_69 = tpu.memref_slice %arg14[%dma_wait3A_67, %dma_wait3A_68] : memref<10240x64xf32, #tpu.memory_space<vmem_shared>> -> memref<10240x64xf32, #tpu.memory_space<vmem_shared>>
    tpu.wait_indirect_dma semaphore(%arg22 : memref<!tpu.dma_semaphore, #tpu.memory_space<semaphore_mem>>) src(%arg12 : memref<128x64xf32, #tpu.memory_space<vmem>>) dst(%dma_wait3A_69 : memref<10240x64xf32, #tpu.memory_space<vmem_shared>>)
    %scan3A_70 = arith.constant 0 : i32
    %scan3A_71 = arith.constant 80 : i32
    %scan3A_72 = arith.addi %scan3A_70, %scan3A_71 : i32
    %scan3A_73 = arith.constant 1 : i32
    scf.for %scan3A_76 = %scan3A_70 to %scan3A_72 step %scan3A_73  : i32 {
      %mul3A_77 = arith.constant 1 : i32
      %mul3A_78 = arith.muli %scan3A_76, %mul3A_77 : i32
      %add3A_79 = arith.constant 0 : i32
      %add3A_80 = arith.addi %add3A_79, %mul3A_78 : i32
      %dma_wait3A_81 = arith.constant 0 : i32
      %dma_wait3A_82 = arith.constant 0 : i32
      %dma_wait3A_83 = tpu.memref_slice %arg8[%dma_wait3A_81, %dma_wait3A_82] : memref<160x128xi32, #tpu.memory_space<vmem>> -> memref<1x128xi32, #tpu.memory_space<vmem>>
      %dma_wait3A_84 = tpu.memref_squeeze %dma_wait3A_83 : memref<1x128xi32, #tpu.memory_space<vmem>> -> memref<128xi32, #tpu.memory_space<vmem>>
      %dma_wait3A_85 = arith.constant 0 : i32
      %dma_wait3A_86 = tpu.memref_slice %arg25[%dma_wait3A_85] : memref<10240xf32, #tpu.memory_space<vmem_shared>> -> memref<10240xf32, #tpu.memory_space<vmem_shared>>
      tpu.wait_indirect_dma semaphore(%arg26 : memref<!tpu.dma_semaphore, #tpu.memory_space<semaphore_mem>>) src(%arg23 : memref<128xf32, #tpu.memory_space<vmem>>) dst(%dma_wait3A_86 : memref<10240xf32, #tpu.memory_space<vmem_shared>>)
    }
    %scan3A_74 = arith.constant 80 : i32
    %barrier3A_75 = arith.constant 0 : index
    tpu.barrier barrier_id(%barrier3A_75)
    "tpu.region"() ({
      %run_scoped3A = tpu.sem_alloc : memref<!tpu.dma_semaphore, #tpu.memory_space<semaphore_mem>>
      %dma_start3A_76 = arith.constant 0 : i32
      %dma_start3A_77 = tpu.memref_slice %arg5[%arg0, %mul3A_15, %dma_start3A_76] : memref<2x10240x64xf32, #tpu.memory_space<hbm>> -> memref<1x640x64xf32, #tpu.memory_space<hbm>>
      %dma_start3A_78 = tpu.memref_squeeze %dma_start3A_77 : memref<1x640x64xf32, #tpu.memory_space<hbm>> -> memref<640x64xf32, #tpu.memory_space<hbm>>
      %dma_start3A_79 = arith.constant 0 : i32
      %dma_start3A_80 = tpu.memref_slice %arg14[%mul3A_15, %dma_start3A_79] : memref<10240x64xf32, #tpu.memory_space<vmem_shared>> -> memref<640x64xf32, #tpu.memory_space<vmem_shared>>
      tpu.enqueue_dma source(%dma_start3A_80 : memref<640x64xf32, #tpu.memory_space<vmem_shared>>) target(%dma_start3A_78 : memref<640x64xf32, #tpu.memory_space<hbm>>) target_semaphore(%run_scoped3A : memref<!tpu.dma_semaphore, #tpu.memory_space<semaphore_mem>>)
      %dma_wait3A_81 = arith.constant 0 : i32
      %dma_wait3A_82 = tpu.memref_slice %arg5[%arg0, %mul3A_15, %dma_wait3A_81] : memref<2x10240x64xf32, #tpu.memory_space<hbm>> -> memref<1x640x64xf32, #tpu.memory_space<hbm>>
      %dma_wait3A_83 = tpu.memref_squeeze %dma_wait3A_82 : memref<1x640x64xf32, #tpu.memory_space<hbm>> -> memref<640x64xf32, #tpu.memory_space<hbm>>
      %dma_wait3A_84 = arith.constant 0 : i32
      %dma_wait3A_85 = tpu.memref_slice %arg14[%mul3A_15, %dma_wait3A_84] : memref<10240x64xf32, #tpu.memory_space<vmem_shared>> -> memref<640x64xf32, #tpu.memory_space<vmem_shared>>
      tpu.wait_dma2 semaphore(%run_scoped3A : memref<!tpu.dma_semaphore, #tpu.memory_space<semaphore_mem>>) src(%dma_wait3A_85 : memref<640x64xf32, #tpu.memory_space<vmem_shared>>) dst(%dma_wait3A_83 : memref<640x64xf32, #tpu.memory_space<hbm>>)
      tpu.yield
    }) : () -> ()
    "tpu.region"() ({
      %run_scoped3A = tpu.sem_alloc : memref<!tpu.dma_semaphore, #tpu.memory_space<semaphore_mem>>
      %dma_start3A_76 = tpu.memref_slice %arg6[%arg0, %mul3A_15] : memref<2x10240xf32, #tpu.memory_space<hbm>> -> memref<1x640xf32, #tpu.memory_space<hbm>>
      %dma_start3A_77 = tpu.memref_squeeze %dma_start3A_76 : memref<1x640xf32, #tpu.memory_space<hbm>> -> memref<640xf32, #tpu.memory_space<hbm>>
      %dma_start3A_78 = tpu.memref_slice %arg25[%mul3A_15] : memref<10240xf32, #tpu.memory_space<vmem_shared>> -> memref<640xf32, #tpu.memory_space<vmem_shared>>
      tpu.enqueue_dma source(%dma_start3A_78 : memref<640xf32, #tpu.memory_space<vmem_shared>>) target(%dma_start3A_77 : memref<640xf32, #tpu.memory_space<hbm>>) target_semaphore(%run_scoped3A : memref<!tpu.dma_semaphore, #tpu.memory_space<semaphore_mem>>)
      %dma_wait3A_79 = tpu.memref_slice %arg6[%arg0, %mul3A_15] : memref<2x10240xf32, #tpu.memory_space<hbm>> -> memref<1x640xf32, #tpu.memory_space<hbm>>
      %dma_wait3A_80 = tpu.memref_squeeze %dma_wait3A_79 : memref<1x640xf32, #tpu.memory_space<hbm>> -> memref<640xf32, #tpu.memory_space<hbm>>
      %dma_wait3A_81 = tpu.memref_slice %arg25[%mul3A_15] : memref<10240xf32, #tpu.memory_space<vmem_shared>> -> memref<640xf32, #tpu.memory_space<vmem_shared>>
      tpu.wait_dma2 semaphore(%run_scoped3A : memref<!tpu.dma_semaphore, #tpu.memory_space<semaphore_mem>>) src(%dma_wait3A_81 : memref<640xf32, #tpu.memory_space<vmem_shared>>) dst(%dma_wait3A_80 : memref<640xf32, #tpu.memory_space<hbm>>)
      tpu.yield
    }) : () -> ()
    return
  }
}

module attributes {stable_mosaic.version = 14 : i64} {
  func.func @_tc_pre_body(%arg0: i32, %arg1: memref<1024x128xf32, #tpu.memory_space<vmem>>, %arg2: memref<128x128xf32, #tpu.memory_space<vmem>>, %arg3: memref<128x128xf32, #tpu.memory_space<vmem>>, %arg4: memref<1x128xf32, #tpu.memory_space<vmem>>, %arg5: memref<2x1024x64xf32, #tpu.memory_space<vmem>>, %arg6: memref<1024x128xf32, #tpu.memory_space<vmem>>) attributes {dimension_semantics = [#tpu.dimension_semantics<arbitrary>], iteration_bounds = array<i64: 10>, scalar_prefetch = 0 : i64, scratch_operands = 0 : i64, tpu.core_type = #tpu.core_type<tc>, window_params = [{transform_indices = @transform_0, window_bounds = array<i64: 1024, 128>}, {pipeline_mode = #tpu.pipeline_mode<synchronous>, transform_indices = @transform_1, window_bounds = array<i64: 128, 128>}, {pipeline_mode = #tpu.pipeline_mode<synchronous>, transform_indices = @transform_2, window_bounds = array<i64: 128, 128>}, {pipeline_mode = #tpu.pipeline_mode<synchronous>, transform_indices = @transform_3, window_bounds = array<i64: 1, 128>}, {transform_indices = @transform_4, window_bounds = array<i64: 2, 1024, 64>}, {transform_indices = @transform_5, window_bounds = array<i64: 1024, 128>}]} {
    %get3A = arith.constant 0 : index
    %get3A_0 = arith.constant 0 : index
    %get3A_1 = vector.load %arg1[%get3A, %get3A_0] : memref<1024x128xf32, #tpu.memory_space<vmem>>, vector<1024x128xf32>
    %get3A_2 = arith.constant 0 : index
    %get3A_3 = arith.constant 0 : index
    %get3A_4 = vector.load %arg2[%get3A_2, %get3A_3] : memref<128x128xf32, #tpu.memory_space<vmem>>, vector<128x128xf32>
    %dot_general3A = arith.constant dense<0.000000e+00> : vector<1024x128xf32>
    %dot_general3A_5 = tpu.matmul %get3A_1, %get3A_4, %dot_general3A {dimension_numbers = #tpu.dot_dimension_numbers<[1], [0], [0], [1], [0, 0, 1, 1], [], []>, transpose_lhs_hint = false} : vector<1024x128xf32>, vector<128x128xf32>, vector<1024x128xf32> -> vector<1024x128xf32>
    %slice3A = vector.extract_strided_slice %dot_general3A_5 {offsets = [0, 0], sizes = [1024, 64], strides = [1, 1]} : vector<1024x128xf32> to vector<1024x64xf32>
    %slice3A_6 = vector.extract_strided_slice %dot_general3A_5 {offsets = [0, 64], sizes = [1024, 64], strides = [1, 1]} : vector<1024x128xf32> to vector<1024x64xf32>
    %swap3A = arith.constant 0 : index
    %swap3A_7 = arith.constant 0 : index
    %swap3A_8 = arith.constant 0 : index
    %swap3A_9 = vector.load %arg5[%swap3A, %swap3A_7, %swap3A_8] : memref<2x1024x64xf32, #tpu.memory_space<vmem>>, vector<1x1024x64xf32>
    %swap3A_10 = vector.shape_cast %swap3A_9 : vector<1x1024x64xf32> to vector<1024x64xf32>
    %swap3A_11 = vector.shape_cast %slice3A : vector<1024x64xf32> to vector<1x1024x64xf32>
    tpu.vector_store %arg5[%swap3A, %swap3A_7, %swap3A_8], %swap3A_11 {strides = array<i32>} : memref<2x1024x64xf32, #tpu.memory_space<vmem>>, vector<1x1024x64xf32>,
    %swap3A_12 = arith.constant 1 : index
    %swap3A_13 = arith.constant 0 : index
    %swap3A_14 = arith.constant 0 : index
    %swap3A_15 = vector.load %arg5[%swap3A_12, %swap3A_13, %swap3A_14] : memref<2x1024x64xf32, #tpu.memory_space<vmem>>, vector<1x1024x64xf32>
    %swap3A_16 = vector.shape_cast %swap3A_15 : vector<1x1024x64xf32> to vector<1024x64xf32>
    %swap3A_17 = vector.shape_cast %slice3A_6 : vector<1024x64xf32> to vector<1x1024x64xf32>
    tpu.vector_store %arg5[%swap3A_12, %swap3A_13, %swap3A_14], %swap3A_17 {strides = array<i32>} : memref<2x1024x64xf32, #tpu.memory_space<vmem>>, vector<1x1024x64xf32>,
    %get3A_18 = arith.constant 0 : index
    %get3A_19 = arith.constant 0 : index
    %get3A_20 = vector.load %arg3[%get3A_18, %get3A_19] : memref<128x128xf32, #tpu.memory_space<vmem>>, vector<128x128xf32>
    %dot_general3A_21 = arith.constant dense<0.000000e+00> : vector<1024x128xf32>
    %dot_general3A_22 = tpu.matmul %get3A_1, %get3A_20, %dot_general3A_21 {dimension_numbers = #tpu.dot_dimension_numbers<[1], [0], [0], [1], [0, 0, 1, 1], [], []>, transpose_lhs_hint = false} : vector<1024x128xf32>, vector<128x128xf32>, vector<1024x128xf32> -> vector<1024x128xf32>
    %get3A_23 = arith.constant 0 : index
    %get3A_24 = arith.constant 0 : index
    %get3A_25 = vector.load %arg4[%get3A_23, %get3A_24] : memref<1x128xf32, #tpu.memory_space<vmem>>, vector<1x128xf32>
    %add3A = vector.broadcast %get3A_25 : vector<1x128xf32> to vector<1024x128xf32>
    %add3A_26 = arith.addf %dot_general3A_22, %add3A : vector<1024x128xf32>
    %swap3A_27 = arith.constant 0 : index
    %swap3A_28 = arith.constant 0 : index
    %swap3A_29 = vector.load %arg6[%swap3A_27, %swap3A_28] : memref<1024x128xf32, #tpu.memory_space<vmem>>, vector<1024x128xf32>
    tpu.vector_store %arg6[%swap3A_27, %swap3A_28], %add3A_26 {strides = array<i32>} : memref<1024x128xf32, #tpu.memory_space<vmem>>, vector<1024x128xf32>,
    return
  }
  func.func @transform_0(%arg0: i32) -> (i32, i32) {
    %c0_i32 = arith.constant 0 : i32
    %c0_i32_0 = arith.constant 0 : i32
    return %arg0, %c0_i32 : i32, i32
  }
  func.func @transform_1(%arg0: i32) -> (i32, i32) {
    %c0_i32 = arith.constant 0 : i32
    %c0_i32_0 = arith.constant 0 : i32
    %c0_i32_1 = arith.constant 0 : i32
    return %c0_i32, %c0_i32_0 : i32, i32
  }
  func.func @transform_2(%arg0: i32) -> (i32, i32) {
    %c0_i32 = arith.constant 0 : i32
    %c0_i32_0 = arith.constant 0 : i32
    %c0_i32_1 = arith.constant 0 : i32
    return %c0_i32, %c0_i32_0 : i32, i32
  }
  func.func @transform_3(%arg0: i32) -> (i32, i32) {
    %c0_i32 = arith.constant 0 : i32
    %c0_i32_0 = arith.constant 0 : i32
    %c0_i32_1 = arith.constant 0 : i32
    return %c0_i32, %c0_i32_0 : i32, i32
  }
  func.func @transform_4(%arg0: i32) -> (i32, i32, i32) {
    %c0_i32 = arith.constant 0 : i32
    %c0_i32_0 = arith.constant 0 : i32
    %c0_i32_1 = arith.constant 0 : i32
    return %c0_i32, %arg0, %c0_i32_0 : i32, i32, i32
  }
  func.func @transform_5(%arg0: i32) -> (i32, i32) {
    %c0_i32 = arith.constant 0 : i32
    %c0_i32_0 = arith.constant 0 : i32
    return %arg0, %c0_i32 : i32, i32
  }
}

module attributes {stable_mosaic.version = 14 : i64} {
  func.func @_tc_mid_body(%arg0: i32, %arg1: memref<1024x128xf32, #tpu.memory_space<vmem>>, %arg2: memref<2x1024x64xf32, #tpu.memory_space<vmem>>, %arg3: memref<2x8x128xf32, #tpu.memory_space<vmem>>, %arg4: memref<128x128xf32, #tpu.memory_space<vmem>>, %arg5: memref<128x128xf32, #tpu.memory_space<vmem>>, %arg6: memref<1x128xf32, #tpu.memory_space<vmem>>, %arg7: memref<2x1024x64xf32, #tpu.memory_space<vmem>>, %arg8: memref<1024x128xf32, #tpu.memory_space<vmem>>) attributes {dimension_semantics = [#tpu.dimension_semantics<arbitrary>], iteration_bounds = array<i64: 10>, scalar_prefetch = 0 : i64, scratch_operands = 0 : i64, tpu.core_type = #tpu.core_type<tc>, window_params = [{transform_indices = @transform_0, window_bounds = array<i64: 1024, 128>}, {transform_indices = @transform_1, window_bounds = array<i64: 2, 1024, 64>}, {transform_indices = @transform_2, window_bounds = array<i64: 2, 8, 128>}, {pipeline_mode = #tpu.pipeline_mode<synchronous>, transform_indices = @transform_3, window_bounds = array<i64: 128, 128>}, {pipeline_mode = #tpu.pipeline_mode<synchronous>, transform_indices = @transform_4, window_bounds = array<i64: 128, 128>}, {pipeline_mode = #tpu.pipeline_mode<synchronous>, transform_indices = @transform_5, window_bounds = array<i64: 1, 128>}, {transform_indices = @transform_6, window_bounds = array<i64: 2, 1024, 64>}, {transform_indices = @transform_7, window_bounds = array<i64: 1024, 128>}]} {
    %get3A = arith.constant 0 : index
    %get3A_0 = arith.constant 0 : index
    %get3A_1 = arith.constant 0 : index
    %get3A_2 = vector.load %arg2[%get3A, %get3A_0, %get3A_1] : memref<2x1024x64xf32, #tpu.memory_space<vmem>>, vector<1x1024x64xf32>
    %get3A_3 = vector.shape_cast %get3A_2 : vector<1x1024x64xf32> to vector<1024x64xf32>
    %get3A_4 = arith.constant 1 : index
    %get3A_5 = arith.constant 0 : index
    %get3A_6 = arith.constant 0 : index
    %get3A_7 = vector.load %arg2[%get3A_4, %get3A_5, %get3A_6] : memref<2x1024x64xf32, #tpu.memory_space<vmem>>, vector<1x1024x64xf32>
    %get3A_8 = vector.shape_cast %get3A_7 : vector<1x1024x64xf32> to vector<1024x64xf32>
    %concatenate3A = tpu.concatenate %get3A_3, %get3A_8 in 1 : vector<1024x64xf32>, vector<1024x64xf32> -> vector<1024x128xf32>
    %get3A_9 = arith.constant 0 : index
    %get3A_10 = arith.constant 0 : index
    %get3A_11 = vector.load %arg1[%get3A_9, %get3A_10] : memref<1024x128xf32, #tpu.memory_space<vmem>>, vector<1024x128xf32>
    %get3A_12 = arith.constant 0 : index
    %get3A_13 = arith.constant 0 : index
    %get3A_14 = arith.constant 0 : index
    %get3A_15 = vector.load %arg3[%get3A_12, %get3A_13, %get3A_14] : memref<2x8x128xf32, #tpu.memory_space<vmem>>, vector<1x8x128xf32>
    %get3A_16 = vector.shape_cast %get3A_15 : vector<1x8x128xf32> to vector<8x128xf32>
    %get3A_17 = arith.constant 1 : index
    %get3A_18 = arith.constant 0 : index
    %get3A_19 = arith.constant 0 : index
    %get3A_20 = vector.load %arg3[%get3A_17, %get3A_18, %get3A_19] : memref<2x8x128xf32, #tpu.memory_space<vmem>>, vector<1x8x128xf32>
    %get3A_21 = vector.shape_cast %get3A_20 : vector<1x8x128xf32> to vector<8x128xf32>
    %add3A = arith.addf %get3A_16, %get3A_21 : vector<8x128xf32>
    %max3A = arith.constant 1.000000e+00 : f32
    %max3A_22 = vector.broadcast %max3A : f32 to vector<8x128xf32>
    %max3A_23 = arith.maximumf %add3A, %max3A_22 : vector<8x128xf32>
    %div3A = arith.constant 1.000000e+00 : f32
    %div3A_24 = vector.broadcast %div3A : f32 to vector<8x128xf32>
    %div3A_25 = arith.divf %div3A_24, %max3A_23 : vector<8x128xf32>
    %iota3A = tpu.iota {dimensions = array<i32: 0>} : vector<1024x8xi32>
    %iota3A_26 = tpu.iota {dimensions = array<i32: 1>} : vector<1024x8xi32>
    %jit3A = arith.constant 128 : i32
    %div3A_27 = vector.broadcast %jit3A : i32 to vector<1024x8xi32>
    %div3A_28 = arith.divsi %iota3A, %div3A_27 : vector<1024x8xi32>
    %sign3A = arith.constant 0 : i32
    %sign3A_29 = vector.broadcast %sign3A : i32 to vector<1024x8xi32>
    %sign3A_30 = arith.cmpi sgt, %iota3A, %sign3A_29 : vector<1024x8xi32>
    %sign3A_31 = arith.extui %sign3A_30 : vector<1024x8xi1> to vector<1024x8xi32>
    %sign3A_32 = arith.constant 0 : i32
    %sign3A_33 = vector.broadcast %sign3A_32 : i32 to vector<1024x8xi32>
    %sign3A_34 = arith.cmpi slt, %iota3A, %sign3A_33 : vector<1024x8xi32>
    %sign3A_35 = arith.extui %sign3A_34 : vector<1024x8xi1> to vector<1024x8xi32>
    %sign3A_36 = arith.subi %sign3A_31, %sign3A_35 : vector<1024x8xi32>
    %sign3A_37 = arith.constant 0 : i32
    %sign3A_38 = arith.cmpi sgt, %jit3A, %sign3A_37 : i32
    %sign3A_39 = arith.extui %sign3A_38 : i1 to i32
    %sign3A_40 = arith.constant 0 : i32
    %sign3A_41 = arith.cmpi slt, %jit3A, %sign3A_40 : i32
    %sign3A_42 = arith.extui %sign3A_41 : i1 to i32
    %sign3A_43 = arith.subi %sign3A_39, %sign3A_42 : i32
    %ne3A = vector.broadcast %sign3A_43 : i32 to vector<1024x8xi32>
    %ne3A_44 = arith.cmpi ne, %sign3A_36, %ne3A : vector<1024x8xi32>
    %rem3A = vector.broadcast %jit3A : i32 to vector<1024x8xi32>
    %rem3A_45 = arith.remsi %iota3A, %rem3A : vector<1024x8xi32>
    %ne3A_46 = arith.constant 0 : i32
    %ne3A_47 = vector.broadcast %ne3A_46 : i32 to vector<1024x8xi32>
    %ne3A_48 = arith.cmpi ne, %rem3A_45, %ne3A_47 : vector<1024x8xi32>
    %and3A = arith.andi %ne3A_44, %ne3A_48 : vector<1024x8xi1>
    %sub3A = arith.constant 1 : i32
    %sub3A_49 = vector.broadcast %sub3A : i32 to vector<1024x8xi32>
    %sub3A_50 = arith.subi %div3A_28, %sub3A_49 : vector<1024x8xi32>
    %select_n3A = arith.select %and3A, %sub3A_50, %div3A_28 : vector<1024x8xi1>, vector<1024x8xi32>
    %eq3A = arith.cmpi eq, %iota3A_26, %select_n3A : vector<1024x8xi32>
    %convert_element_type3A = arith.extui %eq3A : vector<1024x8xi1> to vector<1024x8xi32>
    %convert_element_type3A_51 = arith.sitofp %convert_element_type3A : vector<1024x8xi32> to vector<1024x8xf32>
    %dot_general3A = arith.constant dense<0.000000e+00> : vector<1024x128xf32>
    %dot_general3A_52 = tpu.matmul %convert_element_type3A_51, %div3A_25, %dot_general3A {dimension_numbers = #tpu.dot_dimension_numbers<[1], [0], [0], [1], [0, 0, 1, 1], [], []>, transpose_lhs_hint = false} : vector<1024x8xf32>, vector<8x128xf32>, vector<1024x128xf32> -> vector<1024x128xf32>
    %iota3A_53 = tpu.iota {dimensions = array<i32: 0>} : vector<1024x128xi32>
    %jit3A_54 = arith.constant 128 : i32
    %eq3A_55 = arith.constant 0 : i32
    %eq3A_56 = arith.cmpi eq, %jit3A_54, %eq3A_55 : i32
    %jit3A_57 = arith.constant 1 : i32
    %select_n3A_58 = arith.select %eq3A_56, %jit3A_57, %jit3A_54 : i32
    %rem3A_59 = vector.broadcast %select_n3A_58 : i32 to vector<1024x128xi32>
    %rem3A_60 = arith.remsi %iota3A_53, %rem3A_59 : vector<1024x128xi32>
    %ne3A_61 = arith.constant 0 : i32
    %ne3A_62 = vector.broadcast %ne3A_61 : i32 to vector<1024x128xi32>
    %ne3A_63 = arith.cmpi ne, %rem3A_60, %ne3A_62 : vector<1024x128xi32>
    %lt3A = arith.constant 0 : i32
    %lt3A_64 = vector.broadcast %lt3A : i32 to vector<1024x128xi32>
    %lt3A_65 = arith.cmpi slt, %rem3A_60, %lt3A_64 : vector<1024x128xi32>
    %lt3A_66 = arith.constant 0 : i32
    %lt3A_67 = arith.cmpi slt, %select_n3A_58, %lt3A_66 : i32
    %ne3A_68 = vector.broadcast %lt3A_67 : i1 to vector<1024x128xi1>
    %ne3A_69 = vector.broadcast %ne3A_68 : vector<1024x128xi1> to vector<1024x128xi1>
    %ne3A_70 = arith.xori %lt3A_65, %ne3A_69 : vector<1024x128xi1>
    %and3A_71 = arith.andi %ne3A_70, %ne3A_63 : vector<1024x128xi1>
    %add3A_72 = vector.broadcast %select_n3A_58 : i32 to vector<1024x128xi32>
    %add3A_73 = arith.addi %rem3A_60, %add3A_72 : vector<1024x128xi32>
    %select_n3A_74 = arith.select %and3A_71, %add3A_73, %rem3A_60 : vector<1024x128xi1>, vector<1024x128xi32>
    %iota3A_75 = tpu.iota {dimensions = array<i32: 1>} : vector<1024x128xi32>
    %eq3A_76 = arith.cmpi eq, %iota3A_75, %select_n3A_74 : vector<1024x128xi32>
    %convert_element_type3A_77 = arith.extui %eq3A_76 : vector<1024x128xi1> to vector<1024x128xi32>
    %convert_element_type3A_78 = arith.sitofp %convert_element_type3A_77 : vector<1024x128xi32> to vector<1024x128xf32>
    %mul3A = arith.mulf %dot_general3A_52, %convert_element_type3A_78 : vector<1024x128xf32>
    %reduce_sum3A = arith.constant dense<0.000000e+00> : vector<1024xf32>
    %reduce_sum3A_79 = vector.multi_reduction <add>, %mul3A, %reduce_sum3A [1] : vector<1024x128xf32> to vector<1024xf32>
    %broadcast_in_dim3A = vector.shape_cast %reduce_sum3A_79 : vector<1024xf32> to vector<1024x1xf32>
    %mul3A_80 = vector.broadcast %broadcast_in_dim3A : vector<1024x1xf32> to vector<1024x128xf32>
    %mul3A_81 = arith.mulf %concatenate3A, %mul3A_80 : vector<1024x128xf32>
    %add3A_82 = arith.addf %get3A_11, %mul3A_81 : vector<1024x128xf32>
    %max3A_83 = arith.constant 0.000000e+00 : f32
    %max3A_84 = vector.broadcast %max3A_83 : f32 to vector<1024x128xf32>
    %max3A_85 = arith.maximumf %add3A_82, %max3A_84 : vector<1024x128xf32>
    %get3A_86 = arith.constant 0 : index
    %get3A_87 = arith.constant 0 : index
    %get3A_88 = vector.load %arg4[%get3A_86, %get3A_87] : memref<128x128xf32, #tpu.memory_space<vmem>>, vector<128x128xf32>
    %dot_general3A_89 = arith.constant dense<0.000000e+00> : vector<1024x128xf32>
    %dot_general3A_90 = tpu.matmul %max3A_85, %get3A_88, %dot_general3A_89 {dimension_numbers = #tpu.dot_dimension_numbers<[1], [0], [0], [1], [0, 0, 1, 1], [], []>, transpose_lhs_hint = false} : vector<1024x128xf32>, vector<128x128xf32>, vector<1024x128xf32> -> vector<1024x128xf32>
    %slice3A = vector.extract_strided_slice %dot_general3A_90 {offsets = [0, 0], sizes = [1024, 64], strides = [1, 1]} : vector<1024x128xf32> to vector<1024x64xf32>
    %slice3A_91 = vector.extract_strided_slice %dot_general3A_90 {offsets = [0, 64], sizes = [1024, 64], strides = [1, 1]} : vector<1024x128xf32> to vector<1024x64xf32>
    %swap3A = arith.constant 0 : index
    %swap3A_92 = arith.constant 0 : index
    %swap3A_93 = arith.constant 0 : index
    %swap3A_94 = vector.load %arg7[%swap3A, %swap3A_92, %swap3A_93] : memref<2x1024x64xf32, #tpu.memory_space<vmem>>, vector<1x1024x64xf32>
    %swap3A_95 = vector.shape_cast %swap3A_94 : vector<1x1024x64xf32> to vector<1024x64xf32>
    %swap3A_96 = vector.shape_cast %slice3A : vector<1024x64xf32> to vector<1x1024x64xf32>
    tpu.vector_store %arg7[%swap3A, %swap3A_92, %swap3A_93], %swap3A_96 {strides = array<i32>} : memref<2x1024x64xf32, #tpu.memory_space<vmem>>, vector<1x1024x64xf32>,
    %swap3A_97 = arith.constant 1 : index
    %swap3A_98 = arith.constant 0 : index
    %swap3A_99 = arith.constant 0 : index
    %swap3A_100 = vector.load %arg7[%swap3A_97, %swap3A_98, %swap3A_99] : memref<2x1024x64xf32, #tpu.memory_space<vmem>>, vector<1x1024x64xf32>
    %swap3A_101 = vector.shape_cast %swap3A_100 : vector<1x1024x64xf32> to vector<1024x64xf32>
    %swap3A_102 = vector.shape_cast %slice3A_91 : vector<1024x64xf32> to vector<1x1024x64xf32>
    tpu.vector_store %arg7[%swap3A_97, %swap3A_98, %swap3A_99], %swap3A_102 {strides = array<i32>} : memref<2x1024x64xf32, #tpu.memory_space<vmem>>, vector<1x1024x64xf32>,
    %get3A_103 = arith.constant 0 : index
    %get3A_104 = arith.constant 0 : index
    %get3A_105 = vector.load %arg5[%get3A_103, %get3A_104] : memref<128x128xf32, #tpu.memory_space<vmem>>, vector<128x128xf32>
    %dot_general3A_106 = arith.constant dense<0.000000e+00> : vector<1024x128xf32>
    %dot_general3A_107 = tpu.matmul %max3A_85, %get3A_105, %dot_general3A_106 {dimension_numbers = #tpu.dot_dimension_numbers<[1], [0], [0], [1], [0, 0, 1, 1], [], []>, transpose_lhs_hint = false} : vector<1024x128xf32>, vector<128x128xf32>, vector<1024x128xf32> -> vector<1024x128xf32>
    %get3A_108 = arith.constant 0 : index
    %get3A_109 = arith.constant 0 : index
    %get3A_110 = vector.load %arg6[%get3A_108, %get3A_109] : memref<1x128xf32, #tpu.memory_space<vmem>>, vector<1x128xf32>
    %add3A_111 = vector.broadcast %get3A_110 : vector<1x128xf32> to vector<1024x128xf32>
    %add3A_112 = arith.addf %dot_general3A_107, %add3A_111 : vector<1024x128xf32>
    %swap3A_113 = arith.constant 0 : index
    %swap3A_114 = arith.constant 0 : index
    %swap3A_115 = vector.load %arg8[%swap3A_113, %swap3A_114] : memref<1024x128xf32, #tpu.memory_space<vmem>>, vector<1024x128xf32>
    tpu.vector_store %arg8[%swap3A_113, %swap3A_114], %add3A_112 {strides = array<i32>} : memref<1024x128xf32, #tpu.memory_space<vmem>>, vector<1024x128xf32>,
    return
  }
  func.func @transform_0(%arg0: i32) -> (i32, i32) {
    %c0_i32 = arith.constant 0 : i32
    %c0_i32_0 = arith.constant 0 : i32
    return %arg0, %c0_i32 : i32, i32
  }
  func.func @transform_1(%arg0: i32) -> (i32, i32, i32) {
    %c0_i32 = arith.constant 0 : i32
    %c0_i32_0 = arith.constant 0 : i32
    %c0_i32_1 = arith.constant 0 : i32
    return %c0_i32, %arg0, %c0_i32_0 : i32, i32, i32
  }
  func.func @transform_2(%arg0: i32) -> (i32, i32, i32) {
    %c0_i32 = arith.constant 0 : i32
    %c0_i32_0 = arith.constant 0 : i32
    %c0_i32_1 = arith.constant 0 : i32
    return %c0_i32, %arg0, %c0_i32_0 : i32, i32, i32
  }
  func.func @transform_3(%arg0: i32) -> (i32, i32) {
    %c0_i32 = arith.constant 0 : i32
    %c0_i32_0 = arith.constant 0 : i32
    %c0_i32_1 = arith.constant 0 : i32
    return %c0_i32, %c0_i32_0 : i32, i32
  }
  func.func @transform_4(%arg0: i32) -> (i32, i32) {
    %c0_i32 = arith.constant 0 : i32
    %c0_i32_0 = arith.constant 0 : i32
    %c0_i32_1 = arith.constant 0 : i32
    return %c0_i32, %c0_i32_0 : i32, i32
  }
  func.func @transform_5(%arg0: i32) -> (i32, i32) {
    %c0_i32 = arith.constant 0 : i32
    %c0_i32_0 = arith.constant 0 : i32
    %c0_i32_1 = arith.constant 0 : i32
    return %c0_i32, %c0_i32_0 : i32, i32
  }
  func.func @transform_6(%arg0: i32) -> (i32, i32, i32) {
    %c0_i32 = arith.constant 0 : i32
    %c0_i32_0 = arith.constant 0 : i32
    %c0_i32_1 = arith.constant 0 : i32
    return %c0_i32, %arg0, %c0_i32_0 : i32, i32, i32
  }
  func.func @transform_7(%arg0: i32) -> (i32, i32) {
    %c0_i32 = arith.constant 0 : i32
    %c0_i32_0 = arith.constant 0 : i32
    return %arg0, %c0_i32 : i32, i32
  }
}

module attributes {stable_mosaic.version = 14 : i64} {
  func.func @_tc_post_body(%arg0: i32, %arg1: memref<1024x128xf32, #tpu.memory_space<vmem>>, %arg2: memref<2x1024x64xf32, #tpu.memory_space<vmem>>, %arg3: memref<2x8x128xf32, #tpu.memory_space<vmem>>, %arg4: memref<1024x128xf32, #tpu.memory_space<vmem>>) attributes {dimension_semantics = [#tpu.dimension_semantics<arbitrary>], iteration_bounds = array<i64: 10>, scalar_prefetch = 0 : i64, scratch_operands = 0 : i64, tpu.core_type = #tpu.core_type<tc>, window_params = [{transform_indices = @transform_0, window_bounds = array<i64: 1024, 128>}, {transform_indices = @transform_1, window_bounds = array<i64: 2, 1024, 64>}, {transform_indices = @transform_2, window_bounds = array<i64: 2, 8, 128>}, {transform_indices = @transform_3, window_bounds = array<i64: 1024, 128>}]} {
    %get3A = arith.constant 0 : index
    %get3A_0 = arith.constant 0 : index
    %get3A_1 = arith.constant 0 : index
    %get3A_2 = vector.load %arg2[%get3A, %get3A_0, %get3A_1] : memref<2x1024x64xf32, #tpu.memory_space<vmem>>, vector<1x1024x64xf32>
    %get3A_3 = vector.shape_cast %get3A_2 : vector<1x1024x64xf32> to vector<1024x64xf32>
    %get3A_4 = arith.constant 1 : index
    %get3A_5 = arith.constant 0 : index
    %get3A_6 = arith.constant 0 : index
    %get3A_7 = vector.load %arg2[%get3A_4, %get3A_5, %get3A_6] : memref<2x1024x64xf32, #tpu.memory_space<vmem>>, vector<1x1024x64xf32>
    %get3A_8 = vector.shape_cast %get3A_7 : vector<1x1024x64xf32> to vector<1024x64xf32>
    %concatenate3A = tpu.concatenate %get3A_3, %get3A_8 in 1 : vector<1024x64xf32>, vector<1024x64xf32> -> vector<1024x128xf32>
    %get3A_9 = arith.constant 0 : index
    %get3A_10 = arith.constant 0 : index
    %get3A_11 = vector.load %arg1[%get3A_9, %get3A_10] : memref<1024x128xf32, #tpu.memory_space<vmem>>, vector<1024x128xf32>
    %get3A_12 = arith.constant 0 : index
    %get3A_13 = arith.constant 0 : index
    %get3A_14 = arith.constant 0 : index
    %get3A_15 = vector.load %arg3[%get3A_12, %get3A_13, %get3A_14] : memref<2x8x128xf32, #tpu.memory_space<vmem>>, vector<1x8x128xf32>
    %get3A_16 = vector.shape_cast %get3A_15 : vector<1x8x128xf32> to vector<8x128xf32>
    %get3A_17 = arith.constant 1 : index
    %get3A_18 = arith.constant 0 : index
    %get3A_19 = arith.constant 0 : index
    %get3A_20 = vector.load %arg3[%get3A_17, %get3A_18, %get3A_19] : memref<2x8x128xf32, #tpu.memory_space<vmem>>, vector<1x8x128xf32>
    %get3A_21 = vector.shape_cast %get3A_20 : vector<1x8x128xf32> to vector<8x128xf32>
    %add3A = arith.addf %get3A_16, %get3A_21 : vector<8x128xf32>
    %max3A = arith.constant 1.000000e+00 : f32
    %max3A_22 = vector.broadcast %max3A : f32 to vector<8x128xf32>
    %max3A_23 = arith.maximumf %add3A, %max3A_22 : vector<8x128xf32>
    %div3A = arith.constant 1.000000e+00 : f32
    %div3A_24 = vector.broadcast %div3A : f32 to vector<8x128xf32>
    %div3A_25 = arith.divf %div3A_24, %max3A_23 : vector<8x128xf32>
    %iota3A = tpu.iota {dimensions = array<i32: 0>} : vector<1024x8xi32>
    %iota3A_26 = tpu.iota {dimensions = array<i32: 1>} : vector<1024x8xi32>
    %jit3A = arith.constant 128 : i32
    %div3A_27 = vector.broadcast %jit3A : i32 to vector<1024x8xi32>
    %div3A_28 = arith.divsi %iota3A, %div3A_27 : vector<1024x8xi32>
    %sign3A = arith.constant 0 : i32
    %sign3A_29 = vector.broadcast %sign3A : i32 to vector<1024x8xi32>
    %sign3A_30 = arith.cmpi sgt, %iota3A, %sign3A_29 : vector<1024x8xi32>
    %sign3A_31 = arith.extui %sign3A_30 : vector<1024x8xi1> to vector<1024x8xi32>
    %sign3A_32 = arith.constant 0 : i32
    %sign3A_33 = vector.broadcast %sign3A_32 : i32 to vector<1024x8xi32>
    %sign3A_34 = arith.cmpi slt, %iota3A, %sign3A_33 : vector<1024x8xi32>
    %sign3A_35 = arith.extui %sign3A_34 : vector<1024x8xi1> to vector<1024x8xi32>
    %sign3A_36 = arith.subi %sign3A_31, %sign3A_35 : vector<1024x8xi32>
    %sign3A_37 = arith.constant 0 : i32
    %sign3A_38 = arith.cmpi sgt, %jit3A, %sign3A_37 : i32
    %sign3A_39 = arith.extui %sign3A_38 : i1 to i32
    %sign3A_40 = arith.constant 0 : i32
    %sign3A_41 = arith.cmpi slt, %jit3A, %sign3A_40 : i32
    %sign3A_42 = arith.extui %sign3A_41 : i1 to i32
    %sign3A_43 = arith.subi %sign3A_39, %sign3A_42 : i32
    %ne3A = vector.broadcast %sign3A_43 : i32 to vector<1024x8xi32>
    %ne3A_44 = arith.cmpi ne, %sign3A_36, %ne3A : vector<1024x8xi32>
    %rem3A = vector.broadcast %jit3A : i32 to vector<1024x8xi32>
    %rem3A_45 = arith.remsi %iota3A, %rem3A : vector<1024x8xi32>
    %ne3A_46 = arith.constant 0 : i32
    %ne3A_47 = vector.broadcast %ne3A_46 : i32 to vector<1024x8xi32>
    %ne3A_48 = arith.cmpi ne, %rem3A_45, %ne3A_47 : vector<1024x8xi32>
    %and3A = arith.andi %ne3A_44, %ne3A_48 : vector<1024x8xi1>
    %sub3A = arith.constant 1 : i32
    %sub3A_49 = vector.broadcast %sub3A : i32 to vector<1024x8xi32>
    %sub3A_50 = arith.subi %div3A_28, %sub3A_49 : vector<1024x8xi32>
    %select_n3A = arith.select %and3A, %sub3A_50, %div3A_28 : vector<1024x8xi1>, vector<1024x8xi32>
    %eq3A = arith.cmpi eq, %iota3A_26, %select_n3A : vector<1024x8xi32>
    %convert_element_type3A = arith.extui %eq3A : vector<1024x8xi1> to vector<1024x8xi32>
    %convert_element_type3A_51 = arith.sitofp %convert_element_type3A : vector<1024x8xi32> to vector<1024x8xf32>
    %dot_general3A = arith.constant dense<0.000000e+00> : vector<1024x128xf32>
    %dot_general3A_52 = tpu.matmul %convert_element_type3A_51, %div3A_25, %dot_general3A {dimension_numbers = #tpu.dot_dimension_numbers<[1], [0], [0], [1], [0, 0, 1, 1], [], []>, transpose_lhs_hint = false} : vector<1024x8xf32>, vector<8x128xf32>, vector<1024x128xf32> -> vector<1024x128xf32>
    %iota3A_53 = tpu.iota {dimensions = array<i32: 0>} : vector<1024x128xi32>
    %jit3A_54 = arith.constant 128 : i32
    %eq3A_55 = arith.constant 0 : i32
    %eq3A_56 = arith.cmpi eq, %jit3A_54, %eq3A_55 : i32
    %jit3A_57 = arith.constant 1 : i32
    %select_n3A_58 = arith.select %eq3A_56, %jit3A_57, %jit3A_54 : i32
    %rem3A_59 = vector.broadcast %select_n3A_58 : i32 to vector<1024x128xi32>
    %rem3A_60 = arith.remsi %iota3A_53, %rem3A_59 : vector<1024x128xi32>
    %ne3A_61 = arith.constant 0 : i32
    %ne3A_62 = vector.broadcast %ne3A_61 : i32 to vector<1024x128xi32>
    %ne3A_63 = arith.cmpi ne, %rem3A_60, %ne3A_62 : vector<1024x128xi32>
    %lt3A = arith.constant 0 : i32
    %lt3A_64 = vector.broadcast %lt3A : i32 to vector<1024x128xi32>
    %lt3A_65 = arith.cmpi slt, %rem3A_60, %lt3A_64 : vector<1024x128xi32>
    %lt3A_66 = arith.constant 0 : i32
    %lt3A_67 = arith.cmpi slt, %select_n3A_58, %lt3A_66 : i32
    %ne3A_68 = vector.broadcast %lt3A_67 : i1 to vector<1024x128xi1>
    %ne3A_69 = vector.broadcast %ne3A_68 : vector<1024x128xi1> to vector<1024x128xi1>
    %ne3A_70 = arith.xori %lt3A_65, %ne3A_69 : vector<1024x128xi1>
    %and3A_71 = arith.andi %ne3A_70, %ne3A_63 : vector<1024x128xi1>
    %add3A_72 = vector.broadcast %select_n3A_58 : i32 to vector<1024x128xi32>
    %add3A_73 = arith.addi %rem3A_60, %add3A_72 : vector<1024x128xi32>
    %select_n3A_74 = arith.select %and3A_71, %add3A_73, %rem3A_60 : vector<1024x128xi1>, vector<1024x128xi32>
    %iota3A_75 = tpu.iota {dimensions = array<i32: 1>} : vector<1024x128xi32>
    %eq3A_76 = arith.cmpi eq, %iota3A_75, %select_n3A_74 : vector<1024x128xi32>
    %convert_element_type3A_77 = arith.extui %eq3A_76 : vector<1024x128xi1> to vector<1024x128xi32>
    %convert_element_type3A_78 = arith.sitofp %convert_element_type3A_77 : vector<1024x128xi32> to vector<1024x128xf32>
    %mul3A = arith.mulf %dot_general3A_52, %convert_element_type3A_78 : vector<1024x128xf32>
    %reduce_sum3A = arith.constant dense<0.000000e+00> : vector<1024xf32>
    %reduce_sum3A_79 = vector.multi_reduction <add>, %mul3A, %reduce_sum3A [1] : vector<1024x128xf32> to vector<1024xf32>
    %broadcast_in_dim3A = vector.shape_cast %reduce_sum3A_79 : vector<1024xf32> to vector<1024x1xf32>
    %mul3A_80 = vector.broadcast %broadcast_in_dim3A : vector<1024x1xf32> to vector<1024x128xf32>
    %mul3A_81 = arith.mulf %concatenate3A, %mul3A_80 : vector<1024x128xf32>
    %add3A_82 = arith.addf %get3A_11, %mul3A_81 : vector<1024x128xf32>
    %swap3A = arith.constant 0 : index
    %swap3A_83 = arith.constant 0 : index
    %swap3A_84 = vector.load %arg4[%swap3A, %swap3A_83] : memref<1024x128xf32, #tpu.memory_space<vmem>>, vector<1024x128xf32>
    tpu.vector_store %arg4[%swap3A, %swap3A_83], %add3A_82 {strides = array<i32>} : memref<1024x128xf32, #tpu.memory_space<vmem>>, vector<1024x128xf32>,
    return
  }
  func.func @transform_0(%arg0: i32) -> (i32, i32) {
    %c0_i32 = arith.constant 0 : i32
    %c0_i32_0 = arith.constant 0 : i32
    return %arg0, %c0_i32 : i32, i32
  }
  func.func @transform_1(%arg0: i32) -> (i32, i32, i32) {
    %c0_i32 = arith.constant 0 : i32
    %c0_i32_0 = arith.constant 0 : i32
    %c0_i32_1 = arith.constant 0 : i32
    return %c0_i32, %arg0, %c0_i32_0 : i32, i32, i32
  }
  func.func @transform_2(%arg0: i32) -> (i32, i32, i32) {
    %c0_i32 = arith.constant 0 : i32
    %c0_i32_0 = arith.constant 0 : i32
    %c0_i32_1 = arith.constant 0 : i32
    return %c0_i32, %arg0, %c0_i32_0 : i32, i32, i32
  }
  func.func @transform_3(%arg0: i32) -> (i32, i32) {
    %c0_i32 = arith.constant 0 : i32
    %c0_i32_0 = arith.constant 0 : i32
    return %arg0, %c0_i32 : i32, i32
  }
}

</mosaic_0001>

<sc_bundles>
// kernel: kernel.10.cloned.1.call-start
scs
__scs_entry_jumppad:
0x0: {  	(pc) =	sbr.rel $0x88, $3  }
0x1: {  	(tag) =	ssettag $0x0;
	lr =	simm.s32 $0x1  }
0x2: {  	[smem:$0x3F99] =	sst lr;
	_ =	strace $0xD0000000  }
0x3: {  	_ = 	snop  }
0x4: {  	_ = 	snop  }
0x5: {  	_ = 	snop  }
0x6: {  	_ = 	snop  }
0x7: {  	_ = 	snop  }
__scs_overlays_trampoline_lowered:
0x8: {  	[smem:$0x3FA8] =	sst s0  }
0x9: {  	[smem:$0x3FA9] =	sst s1  }
0xa: {  	[smem:$0x3FAA] =	sst s2  }
0xb: {  	[smem:$0x3FAB] =	sst s3  }
0xc: {  	[smem:$0x3FAC] =	sst s4  }
0xd: {  	[smem:$0x3FAD] =	sst s5  }
0xe: {  	[smem:$0x3FAE] =	sst s6  }
0xf: {  	[smem:$0x3FAF] =	sst s7  }
0x10: {  	[smem:$0x3FB0] =	sst s8  }
0x11: {  	[smem:$0x3FB1] =	sst s9;
	s0 =	simm.s32 @!p0 $0x0  }
0x12: {  	s1 =	sld [smem:$0x3F97];
	s0 =	simm.s32 @p0 $0x1  }
0x13: {  	[smem:$0x3FB2] =	sst s0;
	s0 =	simm.s32 @!p1 $0x0  }
0x14: {  	s2 =	sld [smem:$0x3F96];
	s0 =	simm.s32 @p1 $0x1  }
0x15: {  	[smem:$0x3FB3] =	sst s0;
	s0 =	simm.s32 @!p2 $0x0  }
0x16: {  	s3 =	sld [smem:$0x3FDB];
	s0 =	simm.s32 @p2 $0x1  }
0x17: {  	s4 =	simm.s32 $0x1BF5;
	[smem:$0x3FB5] =	sst s0  }
0x18: {  	s0 =	sld [smem:$0x3F98];
	_ =	swait.ge [sflag:s4], $0x0  }
0x19: {  	s7 =	sld [smem:$0x3F99]  }
0x1a: {  	s8 =	sadd.s32 $0xFFFFE003, lr  }
0x1b: {  	s9 =	sadd.s32 $0xFFFFFEF7, lr;
	s5 =	simm.s32 $0xFFFFFFFF;
	p2 =	slt.u32 s8, $0xFFFFF086  }
0x1c: {  	p1 =	slt.u32 s9, $0xF7A;
	s5 =	simm.s32 @!p2 $0x0  }
0x1d: {  	s5 =	simm.s32 @p1 $0x1;
	p0 =	seq.s32 s7, s2  }
0x1e: {  	s7 =	smul.u32 @!p0 $0xF7A, s2;
	p2 =	seq.s32 @!p0 s5, $0x0  }
0x1f: {  	s9 =	smul.u32 $0xF7A, s1;
	s8 =	simm.s32 @!p0 $0x1BF5;
	p2 =	por !p2, p0  }
0x20: {  	[sflag:s8] =	ssyncset.s32 @!p0 $0xFFFFF086;
	s6 =	sadd.s32 @!p0 s3, s7;
	s7 =	simm.s32 @!p0 $0x108  }
0x21: {  	s3 =	sadd.s32 s3, s9;
	s6 =	sadd.s32 @!p0 $0x88, s6;
	s7 =	simm.s32 @p2 $0x1082  }
0x22: {  	[simem:s7], [sflag:s8] =	dma.local @!p0 [hbm:s6], $0xF7A  }
0x23: {  	s9 =	sor.u32 $0xD0000000, s2;
	s6 =	simm.s32 $0x108;
	_ =	swait.ge @!p0 [sflag:s8], $0x0  }
0x24: {  	s3 =	sadd.s32 $0x88, s3;
	s6 =	simm.s32 @!p1 $0x1082;
	[sflag:s4] =	ssyncset.s32 $0xFFFFF086  }
0x25: {  	[simem:s6], [sflag:s4] =	dma.local [hbm:s3], $0xF7A  }
0x26: {  	[smem:$0x3F99] =	sst s1;
	(tag) =	ssettag s2;
	_ =	strace s9  }
0x27: {  	s1 =	sld [smem:$0x3FA9]  }
0x28: {  	s2 =	sld [smem:$0x3FAA]  }
0x29: {  	s4 =	sld [smem:$0x3FAC]  }
0x2a: {  	p0 =	seq.s32 s5, $0x0;
	s5 =	sld [smem:$0x3FAD]  }
0x2b: {  	s6 =	sld [smem:$0x3FAE]  }
0x2c: {  	s7 =	sld [smem:$0x3FAF]  }
0x2d: {  	s3 =	simm.s32 $0x108;
	s8 =	sld [smem:$0x3FB0]  }
0x2e: {  	s3 =	simm.s32 @!p0 $0x1082;
	s9 =	sld [smem:$0x3FB1]  }
0x2f: {  	lr =	sadd.s32 s0, s3;
	s0 =	sld [smem:$0x3FA8]  }
0x30: {  	s3 =	sld [smem:$0x3FAB]  }
0x31: {  	[smem:$0x3FB4] =	sst s10  }
0x32: {  	s10 =	sld [smem:$0x3FB2];
	_ =	sdelay $0x3  }
0x33: {  	p0 =	seq.s32 s10, $0x1;
	s10 =	sld [smem:$0x3FB4];
	_ =	sdelay $0x3  }
0x34: {  	[smem:$0x3FB4] =	sst s10  }
0x35: {  	s10 =	sld [smem:$0x3FB3];
	_ =	sdelay $0x3  }
0x36: {  	p1 =	seq.s32 s10, $0x1;
	s10 =	sld [smem:$0x3FB4];
	_ =	sdelay $0x3  }
0x37: {  	[smem:$0x3FB4] =	sst s10  }
0x38: {  	s10 =	sld [smem:$0x3FB5]  }
0x39: {  	_ = 	snop;
	(pc) =	sbr.ind lr, $3  }
0x3a: {  	_ = 	snop  }
0x3b: {  	_ = 	snop  }
0x3c: {  	p2 =	seq.s32 s10, $0x1;
	s10 =	sld [smem:$0x3FB4]  }
0x3d: {  	_ =	shalt  }
0x3e: {  	_ =	shalt  }
0x3f: {  	_ =	shalt  }
0x40: {  	_ =	shalt  }
0x41: {  	_ =	shalt  }
0x42: {  	_ =	shalt  }
0x43: {  	_ =	shalt  }
0x44: {  	_ =	shalt  }
0x45: {  	_ =	shalt  }
0x46: {  	_ =	shalt  }
0x47: {  	_ =	shalt  }
0x48: {  	_ =	shalt  }
0x49: {  	_ =	shalt  }
0x4a: {  	_ =	shalt  }
0x4b: {  	_ =	shalt  }
0x4c: {  	_ =	shalt  }
0x4d: {  	_ =	shalt  }
0x4e: {  	_ =	shalt  }
0x4f: {  	_ =	shalt  }
0x50: {  	_ =	shalt  }
0x51: {  	_ =	shalt  }
0x52: {  	_ =	shalt  }
0x53: {  	_ =	shalt  }
0x54: {  	_ =	shalt  }
0x55: {  	_ =	shalt  }
0x56: {  	_ =	shalt  }
0x57: {  	_ =	shalt  }
0x58: {  	_ =	shalt  }
0x59: {  	_ =	shalt  }
0x5a: {  	_ =	shalt  }
0x5b: {  	_ =	shalt  }
0x5c: {  	_ =	shalt  }
0x5d: {  	_ =	shalt  }
0x5e: {  	_ =	shalt  }
0x5f: {  	_ =	shalt  }
0x60: {  	_ =	shalt  }
0x61: {  	_ =	shalt  }
0x62: {  	_ =	shalt  }
0x63: {  	_ =	shalt  }
0x64: {  	_ =	shalt  }
0x65: {  	_ =	shalt  }
0x66: {  	_ =	shalt  }
0x67: {  	_ =	shalt  }
0x68: {  	_ =	shalt  }
0x69: {  	_ =	shalt  }
0x6a: {  	_ =	shalt  }
0x6b: {  	_ =	shalt  }
0x6c: {  	_ =	shalt  }
0x6d: {  	_ =	shalt  }
0x6e: {  	_ =	shalt  }
0x6f: {  	_ =	shalt  }
0x70: {  	_ =	shalt  }
0x71: {  	_ =	shalt  }
0x72: {  	_ =	shalt  }
0x73: {  	_ =	shalt  }
0x74: {  	_ =	shalt  }
0x75: {  	_ =	shalt  }
0x76: {  	_ =	shalt  }
0x77: {  	_ =	shalt  }
0x78: {  	_ =	shalt  }
0x79: {  	_ =	shalt  }
0x7a: {  	_ =	shalt  }
0x7b: {  	_ =	shalt  }
0x7c: {  	_ =	shalt  }
0x7d: {  	_ =	shalt  }
0x7e: {  	_ =	shalt  }
0x7f: {  	_ =	shalt  }
0x80: {  	_ =	shalt  }
0x81: {  	_ =	shalt  }
0x82: {  	_ =	shalt  }
0x83: {  	_ =	shalt  }
0x84: {  	_ =	shalt  }
0x85: {  	_ =	shalt  }
0x86: {  	_ =	shalt  }
0x87: {  	_ =	shalt  }
.Lfunc_end0:
.L_simem_size_0:
called_computation.1_lowered:
.L_overlay_start_0:
0x88: {  	s2 =	sld [smem:$0x3FD9]  }
0x89: {  	s3 =	sld [smem:$0x3FFE];
	_ =	sdelay $0x1  }
0x8a: {  	s1 =	srdreg.scid  }
0x8b: {  	s0 =	sand.u32 $0x1, s1  }
0x8c: {  	s17 =	sshll.u32 s0, $0xA;
	s2 =	sadd.s32 s3, s2  }
0x8d: {  	s2 =	sadd.s32 s2, s17  }
0x8e: {  	[smem:$0x3FC0] =	sst s2  }
0x8f: {  	_ = 	snop  }
0x90: {  	s2 =	sld [smem:$0x3FD0];
	(tm) =	ssettm $0x1  }
0x91: {  	s18 =	sld [smem:$0x3FFB];
	_ =	sdelay $0x3  }
0x92: {  	_ =	strace s18  }
0x93: {  	s3 =	sld [smem:$0x3FFC];
	_ =	sdelay $0x3  }
0x94: {  	_ =	strace s3  }
0x95: {  	s3 =	sld [smem:$0x3FFD];
	_ =	sdelay $0x3  }
0x96: {  	_ =	strace s3  }
0x97: {  	_ =	strace $0x8FFFFFFF  }
0x98: {  	s19 =	sld [smem:$0x3FDB];
	_ =	sdelay $0x1  }
0x99: {  	s4 =	simm.s32 $_scs_section_size  }
0x9a: {  	s5 =	simm.s32 $_size__tile_overlayer_lowered;
	s6 =	simm.s32 $_tile_overlayer_lowered  }
0x9b: {  	s22 =	simm.s32 $0x1BFF;
	s21 =	sshll.u32 s6, $0x1;
	s3 =	sadd.s32 s4, s19  }
0x9c: {  	s7 =	simm.s32 $0x0;
	s20 =	sshll.u32 s5, $0x1;
	s5 =	sadd.s32 s21, s3  }
0x9d: {  	[timem:s7], [sflag:s22] =	dma.local [hbm:s5], s20  }
0x9e: {  	_ =	swait.ge [sflag:s22], s20  }
0x9f: {  	s4 =	ssub.s32 $0x0, s20;
	[sflag:s22] =	ssyncset.done $0x0  }
0xa0: {  	[sflag:s22] =	ssyncadd.s32 s4;
	_ =	sdelay $0x1  }
0xa1: {  	s23 =	simm.s32 $0x1B8B  }
0xa2: {  	_ =	swait.ge [sflag:s23], $0x1  }
0xa3: {  	[sflag:s23] =	ssyncset.done $0x0  }
0xa4: {  	s25 =	simm.s32 $0x1B8E;
	s24 =	sld [smem:$0x3FFE];
	[sflag:s23] =	ssyncadd.s32 $0xFFFFFFFF  }
0xa5: {  	s26 =	simm.s32 $execute0_lowered;
	[smem:$0x3FD2] =	sst s25  }
0xa6: {  	s5 =	sshll.u32 s26, $0x1;
	_ =	strace $0x80000049;
	[dreg:$0x1] =	wrdreg $0xFFFFFFFF  }
0xa7: {  	s28 =	simm.s32 $_size_execute0_lowered;
	s3 =	sadd.s32 s3, s5;
	[dreg:$0x0] =	wrdreg $0x0  }
0xa8: {  	s5 =	sshll.u32 s28, $0x1;
	[dreg:$0x2] =	wrdreg s3  }
0xa9: {  	[dreg:$0x3] =	wrdreg s5  }
0xaa: {  	[dreg:$0x4] =	wrdreg $0xC0  }
0xab: {  	_ =	task [dreg:s7], $0x5FFFF  }
0xac: {  	[dreg:$0x1] =	wrdreg $0xFFFFFFFF  }
0xad: {  	[dreg:$0x0] =	wrdreg $0x60  }
0xae: {  	[dreg:$0x2] =	wrdreg s24  }
0xaf: {  	[dreg:$0x3] =	wrdreg s2  }
0xb0: {  	[dreg:$0x4] =	wrdreg $0x140000  }
0xb1: {  	[dreg:$0x5] =	wrdreg $0x9  }
0xb2: {  	_ =	task.clear_ibuf [dreg:s7], $0x6FFFF;
	_ =	strace $0x90000049  }
0xb3: {  	s29 =	simm.s32 $0x9;
	_ =	strace $0x8000004B  }
0xb4: {  	_ =	swait.ge [sflag:s29], $0x1  }
0xb5: {  	[sflag:s29] =	ssyncadd.s32 $0xFFFFFFFF  }
0xb6: {  	_ =	strace $0x9000004B  }
0xb7: {  	_ =	sfence  }
0xb8: {  	s30 =	sld [smem:$0x0];
	_ =	sdelay $0x2  }
0xb9: {  	s31 =	sshll.u32 s1, $0xD;
	s1 =	sshrl.u32 s1, $0x2  }
0xba: {  	s3 =	sand.u32 $0x4000, s31;
	s1 =	sadd.s32 s1, s30  }
0xbb: {  	s0 =	sor.u32 s3, s0;
	s1 =	sshll.u32 s1, $0x11  }
0xbc: {  	s0 =	sor.u32 s1, s0  }
0xbd: {  	s0 =	sadd.s32 $0x8F2B, s0  }
0xbe: {  	[sflag:s0] =	ssyncadd.remote.s32 $0x1  }
0xbf: {  	_ =	sfence.sel $0xFFFF  }
0xc0: {  	[dreg:$0x0] =	wrdreg $0xFFFFFFFF;
	(pc) =	sbr.abs _section_cstart, $3  }
0xc1: {  	[dreg:$0x1] =	wrdreg $0xFFFFFFFF  }
0xc2: {  	_ =	task.clear_ibuf [dreg:s7], $0x2FFFF;
	_ =	strace $0x9FFFFFFF  }
0xc3: {  	(tm) =	ssettm $0x7FFFFFFF  }
tec
execute0_lowered:
.L_overlay_start_1:
0x0: {  	(tag) =	ssettag $0x1  }
0x1: {  	s0 =	rddreg [dreg:$0x0]  }
0x2: {  	s1 =	rddreg [dreg:$0x1];
	s10 =	stileid.u32  }
0x3: {  	s3 =	srdreg.scid;
	s2 =	rddreg [dreg:$0x2];
	s14 =	simm.s32 $0x12000  }
0x4: {  	s15 =	simm.s32 $0x9;
	s16 =	simm.s32 $0x5000;
	s17 =	simm.s32 $0x80  }
0x5: {  	s18 =	simm.s32 $0xA000;
	s19 =	simm.s32 $0xC000;
	s21 =	simm.s32 $0xE000  }
0x6: {  	s28 =	simm.s32 $0x3;
	s30 =	simm.s32 $0x5;
	s6 =	smul.u32 $0xA000, s10  }
0x7: {  	s20 =	simm.s32 $0x6;
	s29 =	simm.s32 $0x8;
	s8 =	smul.u32 $0x5000, s10  }
0x8: {  	s5 =	sand.u32 $0x1, s3;
	s3 =	simm.s32 $0x0;
	s10 =	smul.u32 $0x28000, s10  }
0x9: {  	s4 =	sadd.s32 $0x1E00, s0;
	s7 =	smul.u32 $0xA0000, s5;
	[smem:$0x7FF] =	sst s3  }
0xa: {  	s23 =	ssub.s32 $0x2, s5;
	s12 =	smul.u32 $0x50000, s5;
	_ =	strace $0x8000004A  }
0xb: {  	s9 =	sshrl.u32 s8, $0x3;
	s24 =	sshrl.u32 s23, $0x1;
	s10 =	sshrl.u32 s10, $0x2  }
0xc: {  	s5 =	sadd.s32 s6, s2;
	s7 =	sadd.s32 s6, s7;
	s11 =	sadd.s32 s9, s0  }
0xd: {  	s13 =	ssub.s32 s23, s24;
	s25 =	sadd.s32 s10, s2;
	s31 =	sadd.s32 s8, s12  }
0xe: {  	s23 =	simm.s32 $0x10000;
	s24 =	simm.s32 $0x1;
	s7 =	sshrl.u32 s7, $0x3  }
.Ltmp0:
0xf: {  	s26 =	sadd.s32 $0x2000, s25;
	s8 =	sadd.s32 $0x6000, s25;
	(pc) =	sbr.rel .LBB2_1-.Ltmp0, $4  }
0x10: {  	s9 =	sadd.s32 $0x8000, s25;
	s10 =	sshrl.u32 s31, $0x3;
	s11 =	sadd.s32 $0x29E00, s11  }
0x11: {  	s13 =	smax.u32 s13, $0x1;
	s0 =	sadd.s32 s7, s0;
	[dreg:$0x4] =	wrdreg s26  }
0x12: {  	s7 =	sadd.s32 $0x4000, s25;
	s10 =	sadd.s32 s1, s10;
	s25 =	simm.s32 $0x2  }
0x13: {  	v0 =	vimm.f32 $0.0e+00;
	s1 =	simm.s32 $0x4;
	s26 =	simm.s32 $0x7;
	s12 =	sadd.s32 $0x33E00, s0  }
.LBB2_6:
0x14: {  	_ =	swait.ge [sflag:s1], $0x2000  }
0x15: {  	[sflag:s1] =	ssyncset.done $0x0  }
0x16: {  	[sflag:s1] =	ssyncadd.s32 $0xFFFFE000  }
0x17: {  	[spmem:s2] =	stream.indirect.scatter.add.f32 [tilespmem:s23], [sflag:$0x8], $0x40, s22, s17, $0xb8;
	[tilespmem:$0x1E000] =	vst v63  }
0x18: {  	_ =	swait.ge [sflag:s20], $0x2000  }
0x19: {  	[sflag:s20] =	ssyncset.done $0x0  }
0x1a: {  	[sflag:s20] =	ssyncadd.s32 $0xFFFFE000  }
0x1b: {  	_ =	swait.ge [sflag:s26], $0x2000  }
0x1c: {  	[sflag:s26] =	ssyncset.done $0x0  }
0x1d: {  	[sflag:s26] =	ssyncadd.s32 $0xFFFFE000  }
0x1e: {  	s0 =	stileid.u32;
	_ =	swait.ge [sflag:s29], $0x2000  }
0x1f: {  	s6 =	sshrl.u32 s5, $0x3;
	s3 =	sadd.s32 $0x1, s3;
	[sflag:s29] =	ssyncset.done $0x0  }
0x20: {  	s0 =	sshll.u32 s0, $0x6;
	p0 =	sne.s32 s3, s13;
	[sflag:s29] =	ssyncadd.s32 $0xFFFFE000  }
.Ltmp1:
0x21: {  	s0 =	sor.u32 $0x1C09, s0;
	[bflag:$0x0] =	sbarrier.arrive $0xFFFF;
	(pc) =	sbr.rel @!p0 .LBB2_7-.Ltmp1, $4  }
0x22: {  	[hbm:s12], [sflag:s0] =	dma.local [spmem:s6], $0x1400  }
0x23: {  	_ =	swait.ge [sflag:s15], $0x1400  }
0x24: {  	[sflag:s15] =	ssyncset.done $0x0  }
0x25: {  	[sflag:s15] =	ssyncadd.s32 $0xFFFFEC00  }
.LBB2_1:
0x26: {  	s31 =	simm.s32 $0x100;
	s0 =	simm.s32 $0x0  }
.LBB2_2:
0x27: {  	p0 =	sne.s32 s31, $0x7F00;
	[tilespmem:s0+$0x12030] =	vst v0;
	s22 =	smov.u32 s31;
	s31 =	sadd.s32 $0x100, s31  }
.Ltmp2:
0x28: {  	[tilespmem:s0+$0x12020] =	vst v0;
	(pc) =	sbr.rel @p0 .LBB2_2-.Ltmp2, $3  }
0x29: {  	[tilespmem:s0+$0x12000] =	vst v0  }
0x2a: {  	[tilespmem:s0+$0x12010] =	vst v0;
	_ =	sdelay $0x1  }
0x2b: {  	s0 =	sshra.s32 s22, $0x2  }
0x2c: {  	[tilespmem:s0+$0x12030] =	vst v0  }
0x2d: {  	[tilespmem:s0+$0x12020] =	vst v0  }
0x2e: {  	[tilespmem:s0+$0x12000] =	vst v0  }
0x2f: {  	[tilespmem:s0+$0x12010] =	vst v0  }
0x30: {  	[spmem:s5] =	stream.linear.scatter [tilespmem:s14], [sflag:$0x9], $0x2000, $0x38;
	[tilespmem:$0x1E000] =	vst v63  }
0x31: {  	_ =	swait.ge [sflag:s15], $0x2000  }
0x32: {  	[sflag:s15] =	ssyncset.done $0x0  }
0x33: {  	s6 =	rddreg [dreg:$0x4];
	[sflag:s15] =	ssyncadd.s32 $0xFFFFE000  }
0x34: {  	[spmem:s6] =	stream.linear.scatter [tilespmem:s14], [sflag:$0x9], $0x2000, $0x38;
	[tilespmem:$0x1E000] =	vst v63  }
0x35: {  	_ =	swait.ge [sflag:s15], $0x2000  }
0x36: {  	[sflag:s15] =	ssyncset.done $0x0  }
0x37: {  	[sflag:s15] =	ssyncadd.s32 $0xFFFFE000  }
0x38: {  	[spmem:s7] =	stream.linear.scatter [tilespmem:s14], [sflag:$0x9], $0x2000, $0x38;
	[tilespmem:$0x1E000] =	vst v63  }
0x39: {  	_ =	swait.ge [sflag:s15], $0x2000  }
0x3a: {  	[sflag:s15] =	ssyncset.done $0x0  }
0x3b: {  	[sflag:s15] =	ssyncadd.s32 $0xFFFFE000  }
0x3c: {  	[spmem:s8] =	stream.linear.scatter [tilespmem:s14], [sflag:$0x9], $0x2000, $0x38;
	[tilespmem:$0x1E000] =	vst v63  }
0x3d: {  	_ =	swait.ge [sflag:s15], $0x2000  }
0x3e: {  	[sflag:s15] =	ssyncset.done $0x0  }
0x3f: {  	[sflag:s15] =	ssyncadd.s32 $0xFFFFE000  }
0x40: {  	[spmem:s9] =	stream.linear.scatter [tilespmem:s14], [sflag:$0x9], $0x2000, $0x38;
	[tilespmem:$0x1E000] =	vst v63  }
0x41: {  	_ =	swait.ge [sflag:s15], $0x2000  }
0x42: {  	[sflag:s15] =	ssyncset.done $0x0  }
0x43: {  	[sflag:s15] =	ssyncadd.s32 $0xFFFFE000  }
0x44: {  	s31 =	simm.s32 $0x0;
	[bflag:$0x0] =	sbarrier.arrive $0xFFFF  }
0x45: {  	[tilespmem:s31], [sflag:$0x9] =	stream.linear.gather [hbm4b:s10+s31], $0x5000, $0x38;
	[tilespmem:$0x1E000] =	vst v63  }
0x46: {  	_ =	swait.ge [sflag:s15], $0x5000  }
0x47: {  	[sflag:s15] =	ssyncset.done $0x0  }
0x48: {  	[sflag:s15] =	ssyncadd.s32 $0xFFFFB000  }
0x49: {  	[tilespmem:s16], [sflag:$0x9] =	stream.linear.gather [hbm4b:s11+s31], $0x5000, $0x38;
	[tilespmem:$0x1E000] =	vst v63  }
0x4a: {  	_ =	swait.ge [sflag:s15], $0x5000  }
0x4b: {  	[sflag:s15] =	ssyncset.done $0x0  }
0x4c: {  	[sflag:s15] =	ssyncadd.s32 $0xFFFFB000  }
0x4d: {  	[tilespmem:s18], [sflag:$0x1] =	stream.indirect.gather [hbm4b:s4+s17], $0x40, s31, s17, $0xb8;
	[tilespmem:$0x1E000] =	vst v63  }
0x4e: {  	_ = 	snop  }
0x4f: {  	[tilespmem:s19], [sflag:$0x2] =	stream.indirect.gather [hbm4b:s4+s17], $0x40, s17, s17, $0xb8;
	[tilespmem:$0x1E000] =	vst v63  }
0x50: {  	s22 =	simm.s32 $0x100  }
0x51: {  	[tilespmem:s21], [sflag:$0x3] =	stream.indirect.gather [hbm4b:s4+s17], $0x40, s22, s17, $0xb8;
	[tilespmem:$0x1E000] =	vst v63  }
0x52: {  	s6 =	simm.s32 $0x180  }
0x53: {  	[tilespmem:s23], [sflag:$0x4] =	stream.indirect.gather [hbm4b:s4+s17], $0x40, s6, s17, $0xb8;
	[tilespmem:$0x1E000] =	vst v63  }
0x54: {  	_ =	swait.ge [sflag:s24], $0x2000  }
0x55: {  	[sflag:s24] =	ssyncset.done $0x0  }
0x56: {  	[sflag:s24] =	ssyncadd.s32 $0xFFFFE000  }
0x57: {  	[spmem:s2] =	stream.indirect.scatter.add.f32 [tilespmem:s18], [sflag:$0x5], $0x40, s16, s17, $0xb8;
	[tilespmem:$0x1E000] =	vst v63  }
0x58: {  	_ =	swait.ge [sflag:s25], $0x2000  }
0x59: {  	[sflag:s25] =	ssyncset.done $0x0  }
0x5a: {  	s22 =	simm.s32 $0x5080;
	[sflag:s25] =	ssyncadd.s32 $0xFFFFE000  }
0x5b: {  	[spmem:s2] =	stream.indirect.scatter.add.f32 [tilespmem:s19], [sflag:$0x6], $0x40, s22, s17, $0xb8;
	[tilespmem:$0x1E000] =	vst v63  }
0x5c: {  	_ =	swait.ge [sflag:s28], $0x2000  }
0x5d: {  	[sflag:s28] =	ssyncset.done $0x0  }
0x5e: {  	s6 =	simm.s32 $0x5100;
	[sflag:s28] =	ssyncadd.s32 $0xFFFFE000  }
0x5f: {  	[spmem:s2] =	stream.indirect.scatter.add.f32 [tilespmem:s21], [sflag:$0x7], $0x40, s6, s17, $0xb8;
	[tilespmem:$0x1E000] =	vst v63  }
0x60: {  	_ =	swait.ge [sflag:s30], $0x2000  }
0x61: {  	[sflag:s30] =	ssyncset.done $0x0  }
0x62: {  	s22 =	simm.s32 $0x200;
	[sflag:s30] =	ssyncadd.s32 $0xFFFFE000  }
0x63: {  	[tilespmem:s18], [sflag:$0x1] =	stream.indirect.gather [hbm4b:s4+s17], $0x40, s22, s17, $0xb8;
	[tilespmem:$0x1E000] =	vst v63  }
0x64: {  	_ =	swait.ge [sflag:s1], $0x2000  }
0x65: {  	[sflag:s1] =	ssyncset.done $0x0  }
0x66: {  	s6 =	simm.s32 $0x5180;
	[sflag:s1] =	ssyncadd.s32 $0xFFFFE000  }
0x67: {  	[spmem:s2] =	stream.indirect.scatter.add.f32 [tilespmem:s23], [sflag:$0x8], $0x40, s6, s17, $0xb8;
	[tilespmem:$0x1E000] =	vst v63  }
0x68: {  	_ =	swait.ge [sflag:s20], $0x2000  }
0x69: {  	[sflag:s20] =	ssyncset.done $0x0  }
0x6a: {  	s22 =	simm.s32 $0x280;
	[sflag:s20] =	ssyncadd.s32 $0xFFFFE000  }
0x6b: {  	[tilespmem:s19], [sflag:$0x2] =	stream.indirect.gather [hbm4b:s4+s17], $0x40, s22, s17, $0xb8;
	[tilespmem:$0x1E000] =	vst v63  }
.LBB2_4:
0x6c: {  	_ =	swait.ge [sflag:s24], $0x2000  }
0x6d: {  	s0 =	sshra.s32 s31, $0x2;
	[sflag:s24] =	ssyncset.done $0x0  }
0x6e: {  	s22 =	sadd.s32 $0x5200, s0;
	[sflag:s24] =	ssyncadd.s32 $0xFFFFE000  }
0x6f: {  	[spmem:s2] =	stream.indirect.scatter.add.f32 [tilespmem:s18], [sflag:$0x5], $0x40, s22, s17, $0xb8;
	[tilespmem:$0x1E000] =	vst v63  }
0x70: {  	_ =	swait.ge [sflag:s26], $0x2000  }
0x71: {  	[sflag:s26] =	ssyncset.done $0x0  }
0x72: {  	s6 =	sadd.s32 $0x300, s0;
	[sflag:s26] =	ssyncadd.s32 $0xFFFFE000  }
0x73: {  	[tilespmem:s21], [sflag:$0x3] =	stream.indirect.gather [hbm4b:s4+s17], $0x40, s6, s17, $0xb8;
	[tilespmem:$0x1E000] =	vst v63  }
0x74: {  	_ =	swait.ge [sflag:s25], $0x2000  }
0x75: {  	[sflag:s25] =	ssyncset.done $0x0  }
0x76: {  	s6 =	sadd.s32 $0x5280, s0;
	[sflag:s25] =	ssyncadd.s32 $0xFFFFE000  }
0x77: {  	[spmem:s2] =	stream.indirect.scatter.add.f32 [tilespmem:s19], [sflag:$0x6], $0x40, s6, s17, $0xb8;
	[tilespmem:$0x1E000] =	vst v63  }
0x78: {  	_ =	swait.ge [sflag:s29], $0x2000  }
0x79: {  	[sflag:s29] =	ssyncset.done $0x0  }
0x7a: {  	s6 =	sadd.s32 $0x380, s0;
	[sflag:s29] =	ssyncadd.s32 $0xFFFFE000  }
0x7b: {  	[tilespmem:s23], [sflag:$0x4] =	stream.indirect.gather [hbm4b:s4+s17], $0x40, s6, s17, $0xb8;
	[tilespmem:$0x1E000] =	vst v63  }
0x7c: {  	_ =	swait.ge [sflag:s28], $0x2000  }
0x7d: {  	p0 =	seq.s32 s31, $0x13000;
	[sflag:s28] =	ssyncset.done $0x0  }
.Ltmp3:
0x7e: {  	s6 =	sadd.s32 $0x5300, s0;
	[sflag:s28] =	ssyncadd.s32 $0xFFFFE000;
	(pc) =	sbr.rel @p0 .LBB2_6-.Ltmp3, $4  }
0x7f: {  	[spmem:s2] =	stream.indirect.scatter.add.f32 [tilespmem:s21], [sflag:$0x7], $0x40, s6, s17, $0xb8;
	[tilespmem:$0x1E000] =	vst v63  }
0x80: {  	_ =	swait.ge [sflag:s30], $0x2000  }
0x81: {  	[sflag:s30] =	ssyncset.done $0x0  }
0x82: {  	s22 =	sadd.s32 $0x5380, s0;
	[sflag:s30] =	ssyncadd.s32 $0xFFFFE000  }
0x83: {  	s6 =	sadd.s32 $0x400, s0  }
0x84: {  	[tilespmem:s18], [sflag:$0x1] =	stream.indirect.gather [hbm4b:s4+s17], $0x40, s6, s17, $0xb8;
	[tilespmem:$0x1E000] =	vst v63  }
0x85: {  	_ =	swait.ge [sflag:s1], $0x2000  }
0x86: {  	[sflag:s1] =	ssyncset.done $0x0  }
0x87: {  	[sflag:s1] =	ssyncadd.s32 $0xFFFFE000  }
0x88: {  	[spmem:s2] =	stream.indirect.scatter.add.f32 [tilespmem:s23], [sflag:$0x8], $0x40, s22, s17, $0xb8;
	[tilespmem:$0x1E000] =	vst v63  }
.Ltmp4:
0x89: {  	_ = 	snop;
	(pc) =	sbr.rel .LBB2_4-.Ltmp4, $4  }
0x8a: {  	_ =	swait.ge [sflag:s20], $0x2000  }
0x8b: {  	[sflag:s20] =	ssyncset.done $0x0  }
0x8c: {  	s31 =	sadd.s32 $0x800, s31;
	s22 =	sadd.s32 $0x480, s0;
	[sflag:s20] =	ssyncadd.s32 $0xFFFFE000  }
0x8d: {  	[tilespmem:s19], [sflag:$0x2] =	stream.indirect.gather [hbm4b:s4+s17], $0x40, s22, s17, $0xb8;
	[tilespmem:$0x1E000] =	vst v63  }
.LBB2_7:
0x8e: {  	_ =	sfence.sel $0x180000  }
0x8f: {  	[bflag:$0x0] =	sbarrier.arrive $0xFFFF  }
0x90: {  	_ =	strace $0x9000004A  }
0x91: {  	s0 =	stileid.u32;
	[bflag:$0x2] =	sbarrier.arrive $0xFFFF  }
0x92: {  	p0 =	sne.s32 s0, $0x0;
	s0 =	rddreg [dreg:$0x3]  }
0x93: {  	s0 =	sadd.s32 @!p0 $0x100000, s0  }
0x94: {  	[sflag:s0] =	ssyncadd.tile.s32 @!p0 $0x1;
	_ =	shalt  }
.Lfunc_end2:
_tile_overlayer_lowered:
.L_overlay_start_2:
0x95: {  	(tag) =	ssettag $0x2  }
0x96: {  	s0 =	rddreg [dreg:$0x0];
	s2 =	stileid.u32  }
0x97: {  	s1 =	rddreg [dreg:$0x1];
	p0 =	sne.s32 s2, $0x0  }
0x98: {  	s3 =	rddreg [dreg:$0x2];
	[bflag:$0x3] =	sbarrier.arrive $0xFFFF;
	s2 =	simm.s32 @!p0 $0x1C09  }
0x99: {  	[timem:s3], [sflag:s2] =	dma.local @!p0 [hbm:s0], s1  }
0x9a: {  	s0 =	simm.s32 @!p0 $0x9  }
0x9b: {  	_ =	swait.ge @!p0 [sflag:s0], s1  }
0x9c: {  	s1 =	ssub.s32 @!p0 $0x0, s1;
	[sflag:s0] =	ssyncset.done @!p0 $0x0  }
0x9d: {  	[sflag:s0] =	ssyncadd.s32 @!p0 s1  }
0x9e: {  	[bflag:$0x3] =	sbarrier.arrive $0xFFFF  }
0x9f: {  	_ =	shalt  }

// kernel: kernel.7.cloned.1.call-start
scs
__scs_entry_jumppad:
0x0: {  	(pc) =	sbr.rel $0x88, $3  }
0x1: {  	(tag) =	ssettag $0x0;
	lr =	simm.s32 $0x1  }
0x2: {  	[smem:$0x3F99] =	sst lr;
	_ =	strace $0xD0000000  }
0x3: {  	_ = 	snop  }
0x4: {  	_ = 	snop  }
0x5: {  	_ = 	snop  }
0x6: {  	_ = 	snop  }
0x7: {  	_ = 	snop  }
__scs_overlays_trampoline_lowered:
0x8: {  	[smem:$0x3FA8] =	sst s0  }
0x9: {  	[smem:$0x3FA9] =	sst s1  }
0xa: {  	[smem:$0x3FAA] =	sst s2  }
0xb: {  	[smem:$0x3FAB] =	sst s3  }
0xc: {  	[smem:$0x3FAC] =	sst s4  }
0xd: {  	[smem:$0x3FAD] =	sst s5  }
0xe: {  	[smem:$0x3FAE] =	sst s6  }
0xf: {  	[smem:$0x3FAF] =	sst s7  }
0x10: {  	[smem:$0x3FB0] =	sst s8  }
0x11: {  	[smem:$0x3FB1] =	sst s9;
	s0 =	simm.s32 @!p0 $0x0  }
0x12: {  	s1 =	sld [smem:$0x3F97];
	s0 =	simm.s32 @p0 $0x1  }
0x13: {  	[smem:$0x3FB2] =	sst s0;
	s0 =	simm.s32 @!p1 $0x0  }
0x14: {  	s2 =	sld [smem:$0x3F96];
	s0 =	simm.s32 @p1 $0x1  }
0x15: {  	[smem:$0x3FB3] =	sst s0;
	s0 =	simm.s32 @!p2 $0x0  }
0x16: {  	s3 =	sld [smem:$0x3FDB];
	s0 =	simm.s32 @p2 $0x1  }
0x17: {  	s4 =	simm.s32 $0x1BF5;
	[smem:$0x3FB5] =	sst s0  }
0x18: {  	s0 =	sld [smem:$0x3F98];
	_ =	swait.ge [sflag:s4], $0x0  }
0x19: {  	s7 =	sld [smem:$0x3F99]  }
0x1a: {  	s8 =	sadd.s32 $0xFFFFE003, lr  }
0x1b: {  	s9 =	sadd.s32 $0xFFFFFEF7, lr;
	s5 =	simm.s32 $0xFFFFFFFF;
	p2 =	slt.u32 s8, $0xFFFFF086  }
0x1c: {  	p1 =	slt.u32 s9, $0xF7A;
	s5 =	simm.s32 @!p2 $0x0  }
0x1d: {  	s5 =	simm.s32 @p1 $0x1;
	p0 =	seq.s32 s7, s2  }
0x1e: {  	s7 =	smul.u32 @!p0 $0xF7A, s2;
	p2 =	seq.s32 @!p0 s5, $0x0  }
0x1f: {  	s9 =	smul.u32 $0xF7A, s1;
	s8 =	simm.s32 @!p0 $0x1BF5;
	p2 =	por !p2, p0  }
0x20: {  	[sflag:s8] =	ssyncset.s32 @!p0 $0xFFFFF086;
	s6 =	sadd.s32 @!p0 s3, s7;
	s7 =	simm.s32 @!p0 $0x108  }
0x21: {  	s3 =	sadd.s32 s3, s9;
	s6 =	sadd.s32 @!p0 $0x88, s6;
	s7 =	simm.s32 @p2 $0x1082  }
0x22: {  	[simem:s7], [sflag:s8] =	dma.local @!p0 [hbm:s6], $0xF7A  }
0x23: {  	s9 =	sor.u32 $0xD0000000, s2;
	s6 =	simm.s32 $0x108;
	_ =	swait.ge @!p0 [sflag:s8], $0x0  }
0x24: {  	s3 =	sadd.s32 $0x88, s3;
	s6 =	simm.s32 @!p1 $0x1082;
	[sflag:s4] =	ssyncset.s32 $0xFFFFF086  }
0x25: {  	[simem:s6], [sflag:s4] =	dma.local [hbm:s3], $0xF7A  }
0x26: {  	[smem:$0x3F99] =	sst s1;
	(tag) =	ssettag s2;
	_ =	strace s9  }
0x27: {  	s1 =	sld [smem:$0x3FA9]  }
0x28: {  	s2 =	sld [smem:$0x3FAA]  }
0x29: {  	s4 =	sld [smem:$0x3FAC]  }
0x2a: {  	p0 =	seq.s32 s5, $0x0;
	s5 =	sld [smem:$0x3FAD]  }
0x2b: {  	s6 =	sld [smem:$0x3FAE]  }
0x2c: {  	s7 =	sld [smem:$0x3FAF]  }
0x2d: {  	s3 =	simm.s32 $0x108;
	s8 =	sld [smem:$0x3FB0]  }
0x2e: {  	s3 =	simm.s32 @!p0 $0x1082;
	s9 =	sld [smem:$0x3FB1]  }
0x2f: {  	lr =	sadd.s32 s0, s3;
	s0 =	sld [smem:$0x3FA8]  }
0x30: {  	s3 =	sld [smem:$0x3FAB]  }
0x31: {  	[smem:$0x3FB4] =	sst s10  }
0x32: {  	s10 =	sld [smem:$0x3FB2];
	_ =	sdelay $0x3  }
0x33: {  	p0 =	seq.s32 s10, $0x1;
	s10 =	sld [smem:$0x3FB4];
	_ =	sdelay $0x3  }
0x34: {  	[smem:$0x3FB4] =	sst s10  }
0x35: {  	s10 =	sld [smem:$0x3FB3];
	_ =	sdelay $0x3  }
0x36: {  	p1 =	seq.s32 s10, $0x1;
	s10 =	sld [smem:$0x3FB4];
	_ =	sdelay $0x3  }
0x37: {  	[smem:$0x3FB4] =	sst s10  }
0x38: {  	s10 =	sld [smem:$0x3FB5]  }
0x39: {  	_ = 	snop;
	(pc) =	sbr.ind lr, $3  }
0x3a: {  	_ = 	snop  }
0x3b: {  	_ = 	snop  }
0x3c: {  	p2 =	seq.s32 s10, $0x1;
	s10 =	sld [smem:$0x3FB4]  }
0x3d: {  	_ =	shalt  }
0x3e: {  	_ =	shalt  }
0x3f: {  	_ =	shalt  }
0x40: {  	_ =	shalt  }
0x41: {  	_ =	shalt  }
0x42: {  	_ =	shalt  }
0x43: {  	_ =	shalt  }
0x44: {  	_ =	shalt  }
0x45: {  	_ =	shalt  }
0x46: {  	_ =	shalt  }
0x47: {  	_ =	shalt  }
0x48: {  	_ =	shalt  }
0x49: {  	_ =	shalt  }
0x4a: {  	_ =	shalt  }
0x4b: {  	_ =	shalt  }
0x4c: {  	_ =	shalt  }
0x4d: {  	_ =	shalt  }
0x4e: {  	_ =	shalt  }
0x4f: {  	_ =	shalt  }
0x50: {  	_ =	shalt  }
0x51: {  	_ =	shalt  }
0x52: {  	_ =	shalt  }
0x53: {  	_ =	shalt  }
0x54: {  	_ =	shalt  }
0x55: {  	_ =	shalt  }
0x56: {  	_ =	shalt  }
0x57: {  	_ =	shalt  }
0x58: {  	_ =	shalt  }
0x59: {  	_ =	shalt  }
0x5a: {  	_ =	shalt  }
0x5b: {  	_ =	shalt  }
0x5c: {  	_ =	shalt  }
0x5d: {  	_ =	shalt  }
0x5e: {  	_ =	shalt  }
0x5f: {  	_ =	shalt  }
0x60: {  	_ =	shalt  }
0x61: {  	_ =	shalt  }
0x62: {  	_ =	shalt  }
0x63: {  	_ =	shalt  }
0x64: {  	_ =	shalt  }
0x65: {  	_ =	shalt  }
0x66: {  	_ =	shalt  }
0x67: {  	_ =	shalt  }
0x68: {  	_ =	shalt  }
0x69: {  	_ =	shalt  }
0x6a: {  	_ =	shalt  }
0x6b: {  	_ =	shalt  }
0x6c: {  	_ =	shalt  }
0x6d: {  	_ =	shalt  }
0x6e: {  	_ =	shalt  }
0x6f: {  	_ =	shalt  }
0x70: {  	_ =	shalt  }
0x71: {  	_ =	shalt  }
0x72: {  	_ =	shalt  }
0x73: {  	_ =	shalt  }
0x74: {  	_ =	shalt  }
0x75: {  	_ =	shalt  }
0x76: {  	_ =	shalt  }
0x77: {  	_ =	shalt  }
0x78: {  	_ =	shalt  }
0x79: {  	_ =	shalt  }
0x7a: {  	_ =	shalt  }
0x7b: {  	_ =	shalt  }
0x7c: {  	_ =	shalt  }
0x7d: {  	_ =	shalt  }
0x7e: {  	_ =	shalt  }
0x7f: {  	_ =	shalt  }
0x80: {  	_ =	shalt  }
0x81: {  	_ =	shalt  }
0x82: {  	_ =	shalt  }
0x83: {  	_ =	shalt  }
0x84: {  	_ =	shalt  }
0x85: {  	_ =	shalt  }
0x86: {  	_ =	shalt  }
0x87: {  	_ =	shalt  }
.Lfunc_end0:
.L_simem_size_0:
called_computation_lowered:
.L_overlay_start_0:
0x88: {  	s2 =	sld [smem:$0x3FD9]  }
0x89: {  	s3 =	sld [smem:$0x3FFE];
	_ =	sdelay $0x1  }
0x8a: {  	s1 =	srdreg.scid  }
0x8b: {  	s0 =	sand.u32 $0x1, s1  }
0x8c: {  	s17 =	sshll.u32 s0, $0xA;
	s2 =	sadd.s32 s3, s2  }
0x8d: {  	s2 =	sadd.s32 s2, s17  }
0x8e: {  	[smem:$0x3FC0] =	sst s2  }
0x8f: {  	_ = 	snop  }
0x90: {  	s2 =	sld [smem:$0x3FD0];
	(tm) =	ssettm $0x1  }
0x91: {  	s18 =	sld [smem:$0x3FFB];
	_ =	sdelay $0x3  }
0x92: {  	_ =	strace s18  }
0x93: {  	s3 =	sld [smem:$0x3FFC];
	_ =	sdelay $0x3  }
0x94: {  	_ =	strace s3  }
0x95: {  	s3 =	sld [smem:$0x3FFD];
	_ =	sdelay $0x3  }
0x96: {  	_ =	strace s3  }
0x97: {  	_ =	strace $0x8FFFFFFF  }
0x98: {  	s19 =	sld [smem:$0x3FDB];
	_ =	sdelay $0x1  }
0x99: {  	s4 =	simm.s32 $_scs_section_size  }
0x9a: {  	s5 =	simm.s32 $_size__tile_overlayer_lowered;
	s6 =	simm.s32 $_tile_overlayer_lowered  }
0x9b: {  	s22 =	simm.s32 $0x1BFF;
	s21 =	sshll.u32 s6, $0x1;
	s3 =	sadd.s32 s4, s19  }
0x9c: {  	s7 =	simm.s32 $0x0;
	s20 =	sshll.u32 s5, $0x1;
	s5 =	sadd.s32 s21, s3  }
0x9d: {  	[timem:s7], [sflag:s22] =	dma.local [hbm:s5], s20  }
0x9e: {  	_ =	swait.ge [sflag:s22], s20  }
0x9f: {  	s4 =	ssub.s32 $0x0, s20;
	[sflag:s22] =	ssyncset.done $0x0  }
0xa0: {  	[sflag:s22] =	ssyncadd.s32 s4;
	_ =	sdelay $0x1  }
0xa1: {  	s23 =	simm.s32 $0x1B8B  }
0xa2: {  	_ =	swait.ge [sflag:s23], $0x1  }
0xa3: {  	[sflag:s23] =	ssyncset.done $0x0  }
0xa4: {  	s25 =	simm.s32 $0x1B8E;
	s24 =	sld [smem:$0x3FFE];
	[sflag:s23] =	ssyncadd.s32 $0xFFFFFFFF  }
0xa5: {  	s26 =	simm.s32 $execute0_lowered;
	[smem:$0x3FD2] =	sst s25  }
0xa6: {  	s5 =	sshll.u32 s26, $0x1;
	_ =	strace $0x80000046;
	[dreg:$0x1] =	wrdreg $0xFFFFFFFF  }
0xa7: {  	s28 =	simm.s32 $_size_execute0_lowered;
	s3 =	sadd.s32 s3, s5;
	[dreg:$0x0] =	wrdreg $0x0  }
0xa8: {  	s5 =	sshll.u32 s28, $0x1;
	[dreg:$0x2] =	wrdreg s3  }
0xa9: {  	[dreg:$0x3] =	wrdreg s5  }
0xaa: {  	[dreg:$0x4] =	wrdreg $0xC0  }
0xab: {  	_ =	task [dreg:s7], $0x5FFFF  }
0xac: {  	[dreg:$0x1] =	wrdreg $0xFFFFFFFF  }
0xad: {  	[dreg:$0x0] =	wrdreg $0x60  }
0xae: {  	[dreg:$0x2] =	wrdreg s24  }
0xaf: {  	[dreg:$0x3] =	wrdreg s2  }
0xb0: {  	[dreg:$0x4] =	wrdreg $0x140000  }
0xb1: {  	[dreg:$0x5] =	wrdreg $0x1E3000  }
0xb2: {  	[dreg:$0x6] =	wrdreg $0x9  }
0xb3: {  	_ =	task.clear_ibuf [dreg:s7], $0x7FFFF;
	_ =	strace $0x90000046  }
0xb4: {  	s29 =	simm.s32 $0x9;
	_ =	strace $0x80000048  }
0xb5: {  	_ =	swait.ge [sflag:s29], $0x1  }
0xb6: {  	[sflag:s29] =	ssyncadd.s32 $0xFFFFFFFF  }
0xb7: {  	_ =	strace $0x90000048  }
0xb8: {  	_ =	sfence  }
0xb9: {  	s30 =	sld [smem:$0x0];
	_ =	sdelay $0x2  }
0xba: {  	s31 =	sshll.u32 s1, $0xD;
	s1 =	sshrl.u32 s1, $0x2  }
0xbb: {  	s3 =	sand.u32 $0x4000, s31;
	s1 =	sadd.s32 s1, s30  }
0xbc: {  	s0 =	sor.u32 s3, s0;
	s1 =	sshll.u32 s1, $0x11  }
0xbd: {  	s0 =	sor.u32 s1, s0  }
0xbe: {  	s0 =	sadd.s32 $0x8F2B, s0  }
0xbf: {  	[sflag:s0] =	ssyncadd.remote.s32 $0x1  }
0xc0: {  	_ =	sfence.sel $0xFFFF  }
0xc1: {  	[dreg:$0x0] =	wrdreg $0xFFFFFFFF;
	(pc) =	sbr.abs _section_cstart, $3  }
0xc2: {  	[dreg:$0x1] =	wrdreg $0xFFFFFFFF  }
0xc3: {  	_ =	task.clear_ibuf [dreg:s7], $0x2FFFF;
	_ =	strace $0x9FFFFFFF  }
0xc4: {  	(tm) =	ssettm $0x7FFFFFFF  }
0xc5: {  	_ =	shalt  }
tec
execute0_lowered:
.L_overlay_start_1:
0x0: {  	(tag) =	ssettag $0x1  }
0x1: {  	s0 =	rddreg [dreg:$0x0]  }
0x2: {  	s2 =	rddreg [dreg:$0x1]  }
0x3: {  	s1 =	rddreg [dreg:$0x2];
	s13 =	stileid.u32  }
0x4: {  	s4 =	srdreg.scid;
	s7 =	smul.u32 $0x5000, s13  }
0x5: {  	s3 =	rddreg [dreg:$0x3];
	s17 =	simm.s32 $0x12000;
	s6 =	smul.u32 $0xA000, s13  }
0x6: {  	s18 =	simm.s32 $0xA;
	s28 =	simm.s32 $0x10000;
	s10 =	smul.u32 $0x280, s13  }
0x7: {  	s29 =	simm.s32 $0x1;
	s8 =	sand.u32 $0x1, s4;
	s13 =	smul.u32 $0x28000, s13  }
0x8: {  	s30 =	simm.s32 $0x3;
	s31 =	simm.s32 $0x5;
	s9 =	smul.u32 $0xA0000, s8  }
0x9: {  	s4 =	simm.s32 $0x0;
	s5 =	sadd.s32 $0x1E00, s0;
	s11 =	smul.u32 $0x2800, s8  }
0xa: {  	[smem:$0x7FF] =	sst s4;
	s19 =	ssub.s32 $0x2, s8;
	s15 =	smul.u32 $0x50000, s8  }
0xb: {  	p0 =	sne.s32 s8, $0x0;
	p1 =	seq.s32 s8, $0x0;
	s8 =	simm.s32 $0x0  }
0xc: {  	_ =	strace $0x80000047;
	s12 =	sshrl.u32 s7, $0x3;
	s13 =	sshrl.u32 s13, $0x2  }
0xd: {  	s14 =	sshrl.u32 s19, $0x1;
	s9 =	sadd.s32 s6, s9;
	s11 =	sadd.s32 s10, s11  }
0xe: {  	s12 =	sadd.s32 s12, s0;
	s13 =	sadd.s32 s13, s1;
	s16 =	ssub.s32 s19, s14  }
0xf: {  	s6 =	sadd.s32 s6, s1;
	s7 =	sadd.s32 s7, s15;
	s19 =	simm.s32 $0x4  }
0x10: {  	s9 =	sshrl.u32 s9, $0x3;
	s11 =	sshrl.u32 s11, $0x3;
	s20 =	sadd.s32 $0x2000, s13  }
0x11: {  	s21 =	sadd.s32 $0x4000, s13;
	s22 =	sadd.s32 $0x6000, s13;
	[dreg:$0x5] =	wrdreg s20  }
0x12: {  	s23 =	sadd.s32 $0x8000, s13;
	s7 =	sshrl.u32 s7, $0x3;
	[dreg:$0x6] =	wrdreg s21  }
0x13: {  	s24 =	sadd.s32 $0x29E00, s12;
	s26 =	smax.u32 s16, $0x1;
	[dreg:$0x7] =	wrdreg s22  }
0x14: {  	s9 =	sadd.s32 s9, s0;
	s0 =	sadd.s32 s11, s0;
	[dreg:$0x8] =	wrdreg s23  }
0x15: {  	s11 =	sadd.s32 s10, s3;
	s2 =	sadd.s32 s2, s7;
	[dreg:$0xa] =	wrdreg s24  }
0x16: {  	[dreg:$0xd] =	wrdreg s26;
	s21 =	simm.s32 $0x80;
	s22 =	simm.s32 $0xA000  }
0x17: {  	s23 =	simm.s32 $0xC000;
	s24 =	simm.s32 $0x2;
	s26 =	simm.s32 $0x8  }
0x18: {  	s7 =	simm.s32 $0x9;
	[dreg:$0x9] =	wrdreg s2;
	s25 =	sadd.s32 $0x33E00, s9  }
0x19: {  	s0 =	sadd.s32 $0x5BE00, s0;
	s2 =	simm.s32 $0x6;
	[dreg:$0xb] =	wrdreg s25  }
0x1a: {  	v0 =	vimm.f32 $0.0e+00;
	v1 =	vimm.f32 $1.000000000e+00;
	[dreg:$0xc] =	wrdreg s0;
	s25 =	simm.s32 $0xE000;
	s0 =	simm.s32 $0x7  }
.LBB2_1:
0x1b: {  	s10 =	simm.s32 $0x100;
	s9 =	simm.s32 $0x0  }
.LBB2_2:
0x1c: {  	p2 =	sne.s32 s10, $0x7F00;
	[tilespmem:s9+$0x12030] =	vst v0;
	s12 =	smov.u32 s10;
	s10 =	sadd.s32 $0x100, s10  }
.Ltmp0:
0x1d: {  	[tilespmem:s9+$0x12020] =	vst v0;
	(pc) =	sbr.rel @p2 .LBB2_2-.Ltmp0, $3  }
0x1e: {  	[tilespmem:s9+$0x12000] =	vst v0  }
0x1f: {  	[tilespmem:s9+$0x12010] =	vst v0;
	_ =	sdelay $0x1  }
0x20: {  	s9 =	sshra.s32 s12, $0x2  }
0x21: {  	[tilespmem:s9+$0x12030] =	vst v0  }
0x22: {  	[tilespmem:s9+$0x12020] =	vst v0  }
0x23: {  	[tilespmem:s9+$0x12000] =	vst v0  }
0x24: {  	[tilespmem:s9+$0x12010] =	vst v0  }
0x25: {  	[tilespmem:$0x1E000] =	vst v1  }
0x26: {  	[tilespmem:$0x1E010] =	vst v1  }
0x27: {  	[tilespmem:$0x1E020] =	vst v1  }
0x28: {  	[tilespmem:$0x1E030] =	vst v1  }
0x29: {  	[tilespmem:$0x1E040] =	vst v1  }
0x2a: {  	[tilespmem:$0x1E050] =	vst v1  }
0x2b: {  	[tilespmem:$0x1E060] =	vst v1  }
0x2c: {  	[tilespmem:$0x1E070] =	vst v1  }
0x2d: {  	[tilespmem:$0x1E080] =	vst v0  }
0x2e: {  	[tilespmem:$0x1E090] =	vst v0  }
0x2f: {  	[tilespmem:$0x1E0A0] =	vst v0  }
0x30: {  	[tilespmem:$0x1E0B0] =	vst v0  }
0x31: {  	[tilespmem:$0x1E0C0] =	vst v0  }
0x32: {  	[tilespmem:$0x1E0D0] =	vst v0  }
0x33: {  	[tilespmem:$0x1E0E0] =	vst v0  }
0x34: {  	[tilespmem:$0x1E0F0] =	vst v0  }
0x35: {  	[tilespmem:$0x1E100] =	vst v0  }
0x36: {  	[tilespmem:$0x1E110] =	vst v0  }
0x37: {  	[tilespmem:$0x1E120] =	vst v0  }
0x38: {  	[tilespmem:$0x1E130] =	vst v0  }
0x39: {  	[tilespmem:$0x1E140] =	vst v0  }
0x3a: {  	[tilespmem:$0x1E150] =	vst v0  }
0x3b: {  	[tilespmem:$0x1E160] =	vst v0  }
0x3c: {  	[tilespmem:$0x1E170] =	vst v0  }
0x3d: {  	[tilespmem:$0x1E180] =	vst v0  }
0x3e: {  	[tilespmem:$0x1E190] =	vst v0  }
0x3f: {  	[tilespmem:$0x1E1A0] =	vst v0  }
0x40: {  	[tilespmem:$0x1E1B0] =	vst v0  }
0x41: {  	[tilespmem:$0x1E1C0] =	vst v0  }
0x42: {  	[tilespmem:$0x1E1D0] =	vst v0  }
0x43: {  	[tilespmem:$0x1E1E0] =	vst v0  }
0x44: {  	[tilespmem:$0x1E1F0] =	vst v0  }
0x45: {  	[tilespmem:$0x1E200] =	vst v0  }
0x46: {  	[tilespmem:$0x1E210] =	vst v0  }
0x47: {  	[tilespmem:$0x1E220] =	vst v0  }
0x48: {  	[tilespmem:$0x1E230] =	vst v0  }
0x49: {  	[tilespmem:$0x1E240] =	vst v0  }
0x4a: {  	[tilespmem:$0x1E250] =	vst v0  }
0x4b: {  	[tilespmem:$0x1E260] =	vst v0  }
0x4c: {  	[tilespmem:$0x1E270] =	vst v0  }
0x4d: {  	[tilespmem:$0x1E280] =	vst v0  }
0x4e: {  	[tilespmem:$0x1E290] =	vst v0  }
0x4f: {  	[tilespmem:$0x1E2A0] =	vst v0  }
0x50: {  	[tilespmem:$0x1E2B0] =	vst v0  }
0x51: {  	[tilespmem:$0x1E2C0] =	vst v0  }
0x52: {  	[tilespmem:$0x1E2D0] =	vst v0  }
0x53: {  	[tilespmem:$0x1E2E0] =	vst v0  }
0x54: {  	[tilespmem:$0x1E2F0] =	vst v0  }
0x55: {  	[spmem:s6] =	stream.linear.scatter [tilespmem:s17], [sflag:$0xA], $0x2000, $0x38;
	[tilespmem:$0x1E580] =	vst v63  }
0x56: {  	_ =	swait.ge [sflag:s18], $0x2000  }
0x57: {  	[sflag:s18] =	ssyncset.done $0x0  }
0x58: {  	s14 =	rddreg [dreg:$0x5];
	[sflag:s18] =	ssyncadd.s32 $0xFFFFE000  }
0x59: {  	[spmem:s14] =	stream.linear.scatter [tilespmem:s17], [sflag:$0xA], $0x2000, $0x38;
	[tilespmem:$0x1E580] =	vst v63  }
0x5a: {  	_ =	swait.ge [sflag:s18], $0x2000  }
0x5b: {  	[sflag:s18] =	ssyncset.done $0x0  }
0x5c: {  	s15 =	rddreg [dreg:$0x6];
	[sflag:s18] =	ssyncadd.s32 $0xFFFFE000  }
0x5d: {  	[spmem:s15] =	stream.linear.scatter [tilespmem:s17], [sflag:$0xA], $0x2000, $0x38;
	[tilespmem:$0x1E580] =	vst v63  }
0x5e: {  	_ =	swait.ge [sflag:s18], $0x2000  }
0x5f: {  	[sflag:s18] =	ssyncset.done $0x0  }
0x60: {  	s16 =	rddreg [dreg:$0x7];
	[sflag:s18] =	ssyncadd.s32 $0xFFFFE000  }
0x61: {  	[spmem:s16] =	stream.linear.scatter [tilespmem:s17], [sflag:$0xA], $0x2000, $0x38;
	[tilespmem:$0x1E580] =	vst v63  }
0x62: {  	_ =	swait.ge [sflag:s18], $0x2000  }
0x63: {  	[sflag:s18] =	ssyncset.done $0x0  }
0x64: {  	s20 =	rddreg [dreg:$0x8];
	[sflag:s18] =	ssyncadd.s32 $0xFFFFE000  }
0x65: {  	[spmem:s20] =	stream.linear.scatter [tilespmem:s17], [sflag:$0xA], $0x2000, $0x38;
	[tilespmem:$0x1E580] =	vst v63  }
0x66: {  	_ =	swait.ge [sflag:s18], $0x2000  }
0x67: {  	[sflag:s18] =	ssyncset.done $0x0  }
0x68: {  	s10 =	simm.s32 $0x1E080;
	[sflag:s18] =	ssyncadd.s32 $0xFFFFE000  }
0x69: {  	[spmem:s11] =	stream.linear.scatter [tilespmem:s10], [sflag:$0xA], $0x280, $0x38;
	[tilespmem:$0x1E580] =	vst v63  }
0x6a: {  	_ =	swait.ge [sflag:s18], $0x280  }
0x6b: {  	[sflag:s18] =	ssyncset.done $0x0  }
0x6c: {  	[sflag:s18] =	ssyncadd.s32 $0xFFFFFD80  }
0x6d: {  	[bflag:$0x0] =	sbarrier.arrive $0xFFFF  }
0x6e: {  	s12 =	rddreg [dreg:$0x9]  }
0x6f: {  	[tilespmem:s4], [sflag:$0xA] =	stream.linear.gather [hbm4b:s12+s4], $0x5000, $0x38;
	[tilespmem:$0x1E580] =	vst v63  }
0x70: {  	_ =	swait.ge [sflag:s18], $0x5000  }
0x71: {  	[sflag:s18] =	ssyncset.done $0x0  }
0x72: {  	s10 =	simm.s32 $0x5000;
	s13 =	rddreg [dreg:$0xa];
	[sflag:s18] =	ssyncadd.s32 $0xFFFFB000  }
0x73: {  	[tilespmem:s10], [sflag:$0xA] =	stream.linear.gather [hbm4b:s13+s4], $0x5000, $0x38;
	[tilespmem:$0x1E580] =	vst v63  }
0x74: {  	_ =	swait.ge [sflag:s18], $0x5000  }
0x75: {  	[sflag:s18] =	ssyncset.done $0x0  }
0x76: {  	[sflag:s18] =	ssyncadd.s32 $0xFFFFB000  }
0x77: {  	[tilespmem:s22], [sflag:$0x1] =	stream.indirect.gather [hbm4b:s5+s21], $0x40, s4, s21, $0xb8;
	[tilespmem:$0x1E580] =	vst v63  }
0x78: {  	_ = 	snop  }
0x79: {  	[tilespmem:s23], [sflag:$0x2] =	stream.indirect.gather [hbm4b:s5+s21], $0x40, s21, s21, $0xb8;
	[tilespmem:$0x1E580] =	vst v63  }
0x7a: {  	s14 =	simm.s32 $0x100  }
0x7b: {  	[tilespmem:s25], [sflag:$0x3] =	stream.indirect.gather [hbm4b:s5+s21], $0x40, s14, s21, $0xb8;
	[tilespmem:$0x1E580] =	vst v63  }
0x7c: {  	s15 =	simm.s32 $0x180  }
0x7d: {  	[tilespmem:s28], [sflag:$0x4] =	stream.indirect.gather [hbm4b:s5+s21], $0x40, s15, s21, $0xb8;
	[tilespmem:$0x1E580] =	vst v63  }
0x7e: {  	_ =	swait.ge [sflag:s29], $0x2000  }
0x7f: {  	[sflag:s29] =	ssyncset.done $0x0  }
0x80: {  	s9 =	simm.s32 @p0 $0x2;
	[sflag:s29] =	ssyncadd.s32 $0xFFFFE000  }
0x81: {  	[spmem:s1] =	stream.indirect.scatter.add.f32 [tilespmem:s22], [sflag:$0x5], $0x40, s10, s21, $0xb8;
	[tilespmem:$0x1E580] =	vst v63  }
0x82: {  	_ =	swait.ge @p0 [sflag:s9], $0x2000  }
0x83: {  	s12 =	simm.s32 @p0 $0xC000;
	[sflag:s9] =	ssyncset.done @p0 $0x0  }
0x84: {  	s10 =	simm.s32 @p0 $0x5080;
	[sflag:s9] =	ssyncadd.s32 @p0 $0xFFFFE000;
	s9 =	simm.s32 @p0 $0x80  }
0x85: {  	[spmem:s1] =	stream.indirect.scatter.add.f32 @p0 [tilespmem:s12], [sflag:$0x6], $0x40, s10, s9, $0xb8;
	[tilespmem:$0x1E580] =	vst v63  }
0x86: {  	s13 =	simm.s32 @!p0 $0x1E000;
	s10 =	simm.s32 @!p0 $0x80;
	s12 =	simm.s32 @!p0 $0x5000  }
0x87: {  	[spmem:s3] =	stream.indirect.scatter.add.f32 @!p0 [tilespmem:s13], [sflag:$0x9], $0x1, s12, s10, $0xb8;
	[tilespmem:$0x1E580] =	vst v63  }
0x88: {  	s12 =	simm.s32 @!p0 $0x2  }
0x89: {  	_ =	swait.ge @!p0 [sflag:s12], $0x2000  }
0x8a: {  	[sflag:s12] =	ssyncset.done @!p0 $0x0  }
0x8b: {  	s14 =	simm.s32 @!p0 $0xC000;
	[sflag:s12] =	ssyncadd.s32 @!p0 $0xFFFFE000;
	s12 =	simm.s32 @!p0 $0x5080  }
0x8c: {  	[spmem:s1] =	stream.indirect.scatter.add.f32 @!p0 [tilespmem:s14], [sflag:$0x6], $0x40, s12, s10, $0xb8;
	[tilespmem:$0x1E580] =	vst v63  }
0x8d: {  	_ = 	snop  }
0x8e: {  	[spmem:s3] =	stream.indirect.scatter.add.f32 @!p0 [tilespmem:s13], [sflag:$0x9], $0x1, s12, s10, $0xb8;
	[tilespmem:$0x1E580] =	vst v63  }
0x8f: {  	_ =	swait.ge [sflag:s30], $0x2000  }
0x90: {  	[sflag:s30] =	ssyncset.done $0x0  }
0x91: {  	s16 =	simm.s32 $0x5100;
	s12 =	simm.s32 @p0 $0x5;
	[sflag:s30] =	ssyncadd.s32 $0xFFFFE000  }
0x92: {  	[spmem:s1] =	stream.indirect.scatter.add.f32 [tilespmem:s25], [sflag:$0x7], $0x40, s16, s21, $0xb8;
	[tilespmem:$0x1E580] =	vst v63  }
0x93: {  	_ =	swait.ge @p0 [sflag:s12], $0x2000  }
0x94: {  	[sflag:s12] =	ssyncset.done @p0 $0x0  }
0x95: {  	s14 =	simm.s32 @p0 $0xA000;
	[sflag:s12] =	ssyncadd.s32 @p0 $0xFFFFE000;
	s12 =	simm.s32 @p0 $0x200  }
0x96: {  	[tilespmem:s14], [sflag:$0x1] =	stream.indirect.gather @p0 [hbm4b:s5+s9], $0x40, s12, s9, $0xb8;
	[tilespmem:$0x1E580] =	vst v63  }
0x97: {  	s12 =	simm.s32 @p0 $0x4  }
0x98: {  	_ =	swait.ge @p0 [sflag:s12], $0x2000  }
0x99: {  	[sflag:s12] =	ssyncset.done @p0 $0x0  }
0x9a: {  	s14 =	simm.s32 @p0 $0x10000;
	[sflag:s12] =	ssyncadd.s32 @p0 $0xFFFFE000;
	s12 =	simm.s32 @p0 $0x5180  }
0x9b: {  	[spmem:s1] =	stream.indirect.scatter.add.f32 @p0 [tilespmem:s14], [sflag:$0x8], $0x40, s12, s9, $0xb8;
	[tilespmem:$0x1E580] =	vst v63  }
0x9c: {  	s9 =	simm.s32 @!p0 $0x5100  }
0x9d: {  	[spmem:s3] =	stream.indirect.scatter.add.f32 @!p0 [tilespmem:s13], [sflag:$0x9], $0x1, s9, s10, $0xb8;
	[tilespmem:$0x1E580] =	vst v63  }
0x9e: {  	s9 =	simm.s32 @!p0 $0x5  }
0x9f: {  	_ =	swait.ge @!p0 [sflag:s9], $0x2000  }
0xa0: {  	[sflag:s9] =	ssyncset.done @!p0 $0x0  }
0xa1: {  	s12 =	simm.s32 @!p0 $0xA000;
	[sflag:s9] =	ssyncadd.s32 @!p0 $0xFFFFE000;
	s9 =	simm.s32 @!p0 $0x200  }
0xa2: {  	[tilespmem:s12], [sflag:$0x1] =	stream.indirect.gather @!p0 [hbm4b:s5+s10], $0x40, s9, s10, $0xb8;
	[tilespmem:$0x1E580] =	vst v63  }
0xa3: {  	s9 =	simm.s32 @!p0 $0x4  }
0xa4: {  	_ =	swait.ge @!p0 [sflag:s9], $0x2000  }
0xa5: {  	[sflag:s9] =	ssyncset.done @!p0 $0x0  }
0xa6: {  	s12 =	simm.s32 @!p0 $0x10000;
	[sflag:s9] =	ssyncadd.s32 @!p0 $0xFFFFE000;
	s9 =	simm.s32 @!p0 $0x5180  }
0xa7: {  	[spmem:s1] =	stream.indirect.scatter.add.f32 @!p0 [tilespmem:s12], [sflag:$0x8], $0x40, s9, s10, $0xb8;
	[tilespmem:$0x1E580] =	vst v63  }
0xa8: {  	_ = 	snop  }
0xa9: {  	[spmem:s3] =	stream.indirect.scatter.add.f32 @!p0 [tilespmem:s13], [sflag:$0x9], $0x1, s9, s10, $0xb8;
	[tilespmem:$0x1E580] =	vst v63  }
0xaa: {  	_ =	swait.ge [sflag:s2], $0x2000  }
0xab: {  	s20 =	simm.s32 $0x280;
	[sflag:s2] =	ssyncset.done $0x0  }
0xac: {  	s9 =	simm.s32 $0x1;
	s10 =	simm.s32 $0x0;
	[sflag:s2] =	ssyncadd.s32 $0xFFFFE000  }
0xad: {  	[tilespmem:s23], [sflag:$0x2] =	stream.indirect.gather [hbm4b:s5+s21], $0x40, s20, s21, $0xb8;
	[tilespmem:$0x1E580] =	vst v63  }
.LBB2_4:
0xae: {  	_ =	swait.ge [sflag:s29], $0x2000;
	s12 =	sshra.s32 s10, $0x2  }
0xaf: {  	p3 =	sgt.u32 s9, $0x13;
	s14 =	simm.s32 $0x1;
	s15 =	simm.s32 $0x1  }
0xb0: {  	[sflag:s29] =	ssyncset.done $0x0;
	s14 =	simm.s32 @!p3 $0x0;
	s15 =	simm.s32 @!p1 $0x0  }
0xb1: {  	s13 =	sadd.s32 $0x5200, s12;
	[sflag:s29] =	ssyncadd.s32 $0xFFFFE000;
	p2 =	seq.s32 s15, s14  }
0xb2: {  	[spmem:s1] =	stream.indirect.scatter.add.f32 [tilespmem:s22], [sflag:$0x5], $0x40, s13, s21, $0xb8;
	[tilespmem:$0x1E580] =	vst v63  }
0xb3: {  	s14 =	simm.s32 @!p2 $0x80;
	s15 =	simm.s32 @!p2 $0x1E000  }
0xb4: {  	[spmem:s3] =	stream.indirect.scatter.add.f32 @!p2 [tilespmem:s15], [sflag:$0x9], $0x1, s13, s14, $0xb8;
	[tilespmem:$0x1E580] =	vst v63  }
0xb5: {  	_ =	swait.ge [sflag:s0], $0x2000  }
0xb6: {  	[sflag:s0] =	ssyncset.done $0x0  }
0xb7: {  	s16 =	sadd.s32 $0x300, s12;
	[sflag:s0] =	ssyncadd.s32 $0xFFFFE000  }
0xb8: {  	[tilespmem:s25], [sflag:$0x3] =	stream.indirect.gather [hbm4b:s5+s21], $0x40, s16, s21, $0xb8;
	[tilespmem:$0x1E580] =	vst v63  }
0xb9: {  	_ =	swait.ge [sflag:s24], $0x2000  }
0xba: {  	p2 =	por !p3, !p3;
	[sflag:s24] =	ssyncset.done $0x0  }
0xbb: {  	s13 =	sadd.s32 $0x5280, s12;
	p2 =	por @!p1 p3, p3;
	[sflag:s24] =	ssyncadd.s32 $0xFFFFE000  }
0xbc: {  	[spmem:s1] =	stream.indirect.scatter.add.f32 [tilespmem:s23], [sflag:$0x6], $0x40, s13, s21, $0xb8;
	[tilespmem:$0x1E580] =	vst v63  }
0xbd: {  	s14 =	simm.s32 @p2 $0x80;
	s15 =	simm.s32 @p2 $0x1E000  }
0xbe: {  	[spmem:s3] =	stream.indirect.scatter.add.f32 @p2 [tilespmem:s15], [sflag:$0x9], $0x1, s13, s14, $0xb8;
	[tilespmem:$0x1E580] =	vst v63  }
0xbf: {  	_ =	swait.ge [sflag:s26], $0x2000  }
0xc0: {  	[sflag:s26] =	ssyncset.done $0x0  }
0xc1: {  	s20 =	sadd.s32 $0x380, s12;
	[sflag:s26] =	ssyncadd.s32 $0xFFFFE000  }
0xc2: {  	[tilespmem:s28], [sflag:$0x4] =	stream.indirect.gather [hbm4b:s5+s21], $0x40, s20, s21, $0xb8;
	[tilespmem:$0x1E580] =	vst v63  }
0xc3: {  	_ =	swait.ge [sflag:s30], $0x2000  }
0xc4: {  	[sflag:s30] =	ssyncset.done $0x0  }
0xc5: {  	s13 =	sadd.s32 $0x5300, s12;
	[sflag:s30] =	ssyncadd.s32 $0xFFFFE000  }
0xc6: {  	[spmem:s1] =	stream.indirect.scatter.add.f32 [tilespmem:s25], [sflag:$0x7], $0x40, s13, s21, $0xb8;
	[tilespmem:$0x1E580] =	vst v63  }
0xc7: {  	_ = 	snop  }
0xc8: {  	[spmem:s3] =	stream.indirect.scatter.add.f32 @p2 [tilespmem:s15], [sflag:$0x9], $0x1, s13, s14, $0xb8;
	[tilespmem:$0x1E580] =	vst v63  }
0xc9: {  	p3 =	seq.s32 s10, $0x13000;
	_ =	swait.ge [sflag:s31], $0x2000  }
0xca: {  	s16 =	simm.s32 @!p3 $0xA000;
	s13 =	sshra.s32 @!p3 s10, $0x2;
	[sflag:s31] =	ssyncset.done $0x0  }
0xcb: {  	s20 =	simm.s32 @!p3 $0x80;
	s13 =	sadd.s32 @!p3 $0x400, s13;
	[sflag:s31] =	ssyncadd.s32 $0xFFFFE000  }
0xcc: {  	[tilespmem:s16], [sflag:$0x1] =	stream.indirect.gather @!p3 [hbm4b:s5+s20], $0x40, s13, s20, $0xb8;
	[tilespmem:$0x1E580] =	vst v63  }
0xcd: {  	_ =	swait.ge [sflag:s19], $0x2000  }
0xce: {  	[sflag:s19] =	ssyncset.done $0x0  }
0xcf: {  	s13 =	sadd.s32 $0x5380, s12;
	[sflag:s19] =	ssyncadd.s32 $0xFFFFE000  }
0xd0: {  	[spmem:s1] =	stream.indirect.scatter.add.f32 [tilespmem:s28], [sflag:$0x8], $0x40, s13, s21, $0xb8;
	[tilespmem:$0x1E580] =	vst v63  }
.Ltmp1:
0xd1: {  	_ = 	snop;
	(pc) =	sbr.rel @p3 .LBB2_6-.Ltmp1, $4  }
0xd2: {  	[spmem:s3] =	stream.indirect.scatter.add.f32 @p2 [tilespmem:s15], [sflag:$0x9], $0x1, s13, s14, $0xb8;
	[tilespmem:$0x1E580] =	vst v63  }
0xd3: {  	_ =	swait.ge [sflag:s2], $0x2000  }
0xd4: {  	[sflag:s2] =	ssyncset.done $0x0  }
0xd5: {  	[sflag:s2] =	ssyncadd.s32 $0xFFFFE000  }
.Ltmp2:
0xd6: {  	(pc) =	sbr.rel .LBB2_4-.Ltmp2, $3  }
0xd7: {  	_ =	sdelay $0x1  }
0xd8: {  	s12 =	sadd.s32 $0x480, s12;
	s9 =	sadd.s32 $0x1, s9;
	s10 =	sadd.s32 $0x800, s10  }
0xd9: {  	[tilespmem:s23], [sflag:$0x2] =	stream.indirect.gather [hbm4b:s5+s21], $0x40, s12, s21, $0xb8;
	[tilespmem:$0x1E580] =	vst v63  }
.LBB2_6:
0xda: {  	_ =	swait.ge [sflag:s0], $0x2000  }
0xdb: {  	[sflag:s0] =	ssyncset.done $0x0  }
0xdc: {  	[sflag:s0] =	ssyncadd.s32 $0xFFFFE000  }
0xdd: {  	_ =	swait.ge [sflag:s26], $0x2000  }
0xde: {  	[sflag:s26] =	ssyncset.done $0x0  }
0xdf: {  	[sflag:s26] =	ssyncadd.s32 $0xFFFFE000  }
0xe0: {  	_ =	swait.ge [sflag:s7], $0x80  }
0xe1: {  	s9 =	simm.s32 $0x4F;
	[sflag:s7] =	ssyncset.done $0x0  }
.LBB2_7:
0xe2: {  	p2 =	sne.s32 s9, $0x1;
	s9 =	sadd.s32 $0xFFFFFFFF, s9;
	[sflag:s7] =	ssyncadd.s32 $0xFFFFFF80  }
.Ltmp3:
0xe3: {  	(pc) =	sbr.rel @p2 .LBB2_7-.Ltmp3, $3  }
0xe4: {  	_ =	sdelay $0x1  }
0xe5: {  	_ =	swait.ge [sflag:s7], $0x80  }
0xe6: {  	[sflag:s7] =	ssyncset.done $0x0  }
0xe7: {  	[sflag:s7] =	ssyncadd.s32 $0xFFFFFF80;
	s9 =	stileid.u32  }
0xe8: {  	s9 =	sshll.u32 s9, $0x6;
	[bflag:$0x0] =	sbarrier.arrive $0xFFFF  }
0xe9: {  	s10 =	sshrl.u32 s6, $0x3;
	s9 =	sor.u32 $0x1C0A, s9;
	s12 =	rddreg [dreg:$0xb]  }
0xea: {  	[hbm:s12], [sflag:s9] =	dma.local [spmem:s10], $0x1400  }
0xeb: {  	_ =	swait.ge [sflag:s18], $0x1400  }
0xec: {  	[sflag:s18] =	ssyncset.done $0x0  }
0xed: {  	s15 =	sshrl.u32 s11, $0x3;
	s16 =	rddreg [dreg:$0xc];
	[sflag:s18] =	ssyncadd.s32 $0xFFFFEC00  }
0xee: {  	[hbm:s16], [sflag:s9] =	dma.local [spmem:s15], $0x50  }
0xef: {  	_ =	swait.ge [sflag:s18], $0x50  }
0xf0: {  	s8 =	sadd.s32 $0x1, s8;
	s20 =	rddreg [dreg:$0xd]  }
0xf1: {  	p2 =	sne.s32 s8, s20  }
.Ltmp4:
0xf2: {  	_ = 	snop;
	(pc) =	sbr.rel @p2 .LBB2_1-.Ltmp4, $3  }
0xf3: {  	_ =	sdelay $0x1  }
0xf4: {  	[sflag:s18] =	ssyncset.done $0x0  }
0xf5: {  	[sflag:s18] =	ssyncadd.s32 $0xFFFFFFB0  }
0xf6: {  	_ =	sfence.sel $0x180000  }
0xf7: {  	[bflag:$0x0] =	sbarrier.arrive $0xFFFF  }
0xf8: {  	_ =	strace $0x90000047  }
0xf9: {  	s0 =	stileid.u32;
	[bflag:$0x2] =	sbarrier.arrive $0xFFFF  }
0xfa: {  	p0 =	sne.s32 s0, $0x0;
	s0 =	rddreg [dreg:$0x4]  }
0xfb: {  	s0 =	sadd.s32 @!p0 $0x100000, s0  }
0xfc: {  	[sflag:s0] =	ssyncadd.tile.s32 @!p0 $0x1;
	_ =	shalt  }
.Lfunc_end2:
_tile_overlayer_lowered:
.L_overlay_start_2:
0xfd: {  	(tag) =	ssettag $0x2  }
0xfe: {  	s0 =	rddreg [dreg:$0x0];
	s2 =	stileid.u32  }
0xff: {  	s1 =	rddreg [dreg:$0x1];
	p0 =	sne.s32 s2, $0x0  }
0x100: {  	s3 =	rddreg [dreg:$0x2];
	[bflag:$0x3] =	sbarrier.arrive $0xFFFF;
	s2 =	simm.s32 @!p0 $0x1C0A  }
0x101: {  	[timem:s3], [sflag:s2] =	dma.local @!p0 [hbm:s0], s1  }
0x102: {  	s0 =	simm.s32 @!p0 $0xA  }
0x103: {  	_ =	swait.ge @!p0 [sflag:s0], s1  }
0x104: {  	s1 =	ssub.s32 @!p0 $0x0, s1;
	[sflag:s0] =	ssyncset.done @!p0 $0x0  }
0x105: {  	[sflag:s0] =	ssyncadd.s32 @!p0 s1  }
0x106: {  	[bflag:$0x3] =	sbarrier.arrive $0xFFFF  }
0x107: {  	_ =	shalt  }

</sc_bundles>
